<compile_context>
chip_gen: v7x
topology: tpu7x:2x2x1
jax: 0.10.2.dev20260603
libtpu: 0.0.44.dev20260713+nightly
codegen_flags: <defaults>
</compile_context>

<pallas_src>
import functools

import jax
import jax.numpy as jnp
from jax import lax
from jax.experimental import pallas as pl
from jax.experimental.pallas import tpu as pltpu
from jax.experimental.pallas import tpu_sc as plsc

N = 2048
D = 1024
FF = 1024
E = 64
CAP = 40
ROWS = (E + 1) * CAP
ZROW = E * CAP
NW = 32
TPB = N // NW


def _router_body(x_ref, gw_ref, idx_ref):
    x = x_ref[...]
    gw = gw_ref[...]
    logits = lax.dot_general(
        x, gw, (((1,), (1,)), ((), ())),
        preferred_element_type=jnp.float32)
    m = jnp.max(logits, axis=1, keepdims=True)
    cols = lax.broadcasted_iota(jnp.int32, (N, E), 1)
    eid = jnp.min(jnp.where(logits >= m, cols, E), axis=1, keepdims=True)
    oh = (cols == eid).astype(jnp.int32)
    csum = oh
    k = 1
    while k < N:
        shifted = jnp.concatenate(
            [jnp.zeros((k, E), jnp.int32), csum[:N - k]], axis=0)
        csum = csum + shifted
        k *= 2
    pos = jnp.sum(csum * oh, axis=1, keepdims=True) - 1
    g = eid * CAP + pos
    idx_ref[...] = jnp.where(pos < CAP, g, ZROW)


def _router(xf, gate_w):
    idx2 = pl.pallas_call(
        _router_body,
        out_shape=jax.ShapeDtypeStruct((N, 1), jnp.int32),
    )(xf, gate_w)
    return idx2.reshape(N)


@functools.cache
def _sc_kernels():
    mesh = plsc.VectorSubcoreMesh(core_axis_name="c", subcore_axis_name="s")
    nc = mesh.num_cores

    @functools.partial(
        pl.kernel, mesh=mesh,
        out_type=jax.ShapeDtypeStruct((ROWS, D), jnp.float32),
        scratch_types=[
            pltpu.VMEM((TPB,), jnp.int32),
            pltpu.VMEM((TPB, D), jnp.float32),
            pltpu.SemaphoreType.DMA,
        ],
    )
    def dispatch(xf_hbm, idx_hbm, out_hbm, idx_v, rows_v, sem):
        wid = lax.axis_index("s") * nc + lax.axis_index("c")
        base = wid * TPB
        pltpu.sync_copy(idx_hbm.at[pl.ds(base, TPB)], idx_v)
        pltpu.sync_copy(xf_hbm.at[pl.ds(base, TPB)], rows_v)
        pltpu.async_copy(rows_v, out_hbm.at[idx_v], sem).wait()

    @functools.partial(
        pl.kernel, mesh=mesh,
        out_type=jax.ShapeDtypeStruct((N, D), jnp.float32),
        scratch_types=[
            pltpu.VMEM((TPB,), jnp.int32),
            pltpu.VMEM((TPB, D), jnp.float32),
            pltpu.SemaphoreType.DMA,
        ],
    )
    def combine(eo_hbm, idx_hbm, y_hbm, idx_v, rows_v, sem):
        wid = lax.axis_index("s") * nc + lax.axis_index("c")
        base = wid * TPB
        pltpu.sync_copy(idx_hbm.at[pl.ds(base, TPB)], idx_v)
        pltpu.async_copy(eo_hbm.at[idx_v], rows_v, sem).wait()
        pltpu.sync_copy(rows_v, y_hbm.at[pl.ds(base, TPB)])

    return dispatch, combine


def _ffn_body(disp_ref, wg_ref, wu_ref, wo_ref, out_ref):
    e = pl.program_id(0)

    @pl.when(e < E)
    def _compute():
        xb = disp_ref[...]
        wg = wg_ref[0]
        wu = wu_ref[0]
        wo = wo_ref[0]
        hg = lax.dot_general(xb, wg, (((1,), (1,)), ((), ())),
                             preferred_element_type=jnp.float32)
        hu = lax.dot_general(xb, wu, (((1,), (1,)), ((), ())),
                             preferred_element_type=jnp.float32)
        h = hg * jax.nn.sigmoid(hg) * hu
        out_ref[...] = lax.dot_general(h, wo, (((1,), (1,)), ((), ())),
                                       preferred_element_type=jnp.float32)

    @pl.when(e == E)
    def _zero():
        out_ref[...] = jnp.zeros((CAP, D), jnp.float32)


def _ffn(dispatched, wi_gate, wi_up, wo, interpret=False):
    return pl.pallas_call(
        _ffn_body,
        grid=(E + 1,),
        in_specs=[
            pl.BlockSpec((CAP, D), lambda e: (e, 0)),
            pl.BlockSpec((1, FF, D), lambda e: (jnp.minimum(e, E - 1), 0, 0)),
            pl.BlockSpec((1, FF, D), lambda e: (jnp.minimum(e, E - 1), 0, 0)),
            pl.BlockSpec((1, D, FF), lambda e: (jnp.minimum(e, E - 1), 0, 0)),
        ],
        out_specs=pl.BlockSpec((CAP, D), lambda e: (e, 0)),
        out_shape=jax.ShapeDtypeStruct((ROWS, D), jnp.float32),
        interpret=interpret,
    )(dispatched, wi_gate, wi_up, wo)


def kernel(x, gate_w, wi_gate, wi_up, wo):
    B, S, D_ = x.shape
    xf = x.reshape(N, D)
    dispatch, combine = _sc_kernels()
    idx = _router(xf, gate_w)
    dispatched = dispatch(xf, idx)
    eo = _ffn(dispatched, wi_gate, wi_up, wo)
    y = combine(eo, idx)
    return y.reshape(B, S, D_)

# --- scband reference (transcript-rebuilt; emitter-appended) ---
"""Pipeline reference for scband-production-mo-e-1322849927638 (READ-ONLY COPY).

The authoritative reference and input builder live on the scoring server;
editing this copy changes nothing except your own understanding.
"""

import jax, jax.numpy as jnp
import numpy as np

E = 64
TOP_K = 1
D = 1024
FF = 1024
CAP_FACTOR = 1.25


def setup_inputs(seed: int = 0) -> dict:
    key = jax.random.key(seed)
    ks = jax.random.split(key, 5)
    x = jax.random.normal(ks[0], (1, 2048, D), dtype=jnp.float32)
    gate_w = jax.random.normal(ks[1], (E, D), dtype=jnp.float32) * 0.02
    wi_gate = jax.random.normal(ks[2], (E, FF, D), dtype=jnp.float32) * 0.02
    wi_up = jax.random.normal(ks[3], (E, FF, D), dtype=jnp.float32) * 0.02
    wo = jax.random.normal(ks[4], (E, D, FF), dtype=jnp.float32) * 0.02
    return {"x": x, "gate_w": gate_w, "wi_gate": wi_gate, "wi_up": wi_up, "wo": wo}


def _moe_forward(x, gate_w, wi_gate, wi_up, wo):
    B, S, D_ = x.shape
    N = B * S
    xf = x.reshape(N, D_)
    # router: gate Linear (no bias) + softmax + top-k + renormalize
    logits = xf @ gate_w.T
    probs = jax.nn.softmax(logits, axis=-1)
    topw, topi = jax.lax.top_k(probs, TOP_K)
    topw = topw / jnp.sum(topw, axis=-1, keepdims=True)
    eids = topi[:, 0]
    ew = topw[:, 0]
    # dispatch with capacity (TritonExpertDispatch semantics, CPU fallback path)
    capacity = max(int(N / E * CAP_FACTOR), 1)
    order = jnp.argsort(eids)
    sorted_exp = eids[order]
    counts = jnp.bincount(eids, length=E)
    starts = jnp.concatenate([jnp.zeros((1,), counts.dtype), jnp.cumsum(counts)[:-1]])
    pos_sorted = jnp.arange(N) - starts[sorted_exp]
    positions = jnp.zeros((N,), jnp.int32).at[order].set(pos_sorted.astype(jnp.int32))
    valid = positions < capacity
    # scatter tokens into [E, capacity, d]; overflow positions are dropped (token dropping)
    dispatched = jnp.zeros((E, capacity, D_), x.dtype).at[eids, positions].set(xf, mode="drop")
    # per-expert GeGLU FFN: silu(x @ wi_gate^T) * (x @ wi_up^T) @ wo^T
    gate_h = jax.nn.silu(jnp.einsum("ecd,efd->ecf", dispatched, wi_gate))
    up_h = jnp.einsum("ecd,efd->ecf", dispatched, wi_up)
    hidden = gate_h * up_h
    expert_out = jnp.einsum("ecf,edf->ecd", hidden, wo)
    # combine: gather each token's expert output, weight by router prob, zero dropped tokens
    safe_pos = jnp.minimum(positions, capacity - 1)
    gathered = expert_out[eids, safe_pos]
    y = gathered * (ew * valid.astype(x.dtype))[:, None]
    return y.reshape(B, S, D_)


def reference(x, gate_w, wi_gate, wi_up, wo):
    return _moe_forward(x, gate_w, wi_gate, wi_up, wo)

if __name__ == "__main__":
    import jax
    _d = setup_inputs()
    print(jax.jit(kernel)(*tuple(_d.values())))

</pallas_src>

<mosaic_0001>
#map = affine_map<(d0, d1) -> (0, 0)>
#map1 = affine_map<(d0, d1) -> (0)>
module attributes {stable_mosaic.version = 14 : i64} {
  func.func @dispatch(%arg0: i32, %arg1: i32, %arg2: memref<2048x1024xf32, #tpu.memory_space<hbm>>, %arg3: memref<2048xi32, #tpu.memory_space<hbm>>, %arg4: memref<2600x1024xf32, #tpu.memory_space<hbm>>, %arg5: memref<64xi32, #tpu.memory_space<vmem>>, %arg6: memref<64x1024xf32, #tpu.memory_space<vmem>>, %arg7: memref<!tpu.dma_semaphore, #tpu.memory_space<semaphore_mem>>) attributes {dimension_semantics = [#tpu.dimension_semantics<core_parallel>, #tpu.dimension_semantics<subcore_parallel>], iteration_bounds = array<i64: 2, 16>, scalar_prefetch = 0 : i64, scratch_operands = 3 : i64, tpu.core_type = #tpu.core_type<sc_vector_subcore>, window_params = [{transform_indices = #map}, {transform_indices = #map1}, {transform_indices = #map}]} {
    %mul3A = arith.constant 2 : i32
    %mul3A_0 = arith.muli %arg1, %mul3A : i32
    %add3A = arith.addi %mul3A_0, %arg0 : i32
    %mul3A_1 = arith.constant 64 : i32
    %mul3A_2 = arith.muli %add3A, %mul3A_1 : i32
    "tpu.region"() ({
      %run_scoped3A = tpu.sem_alloc : memref<!tpu.dma_semaphore, #tpu.memory_space<semaphore_mem>>
      %dma_start3A_7 = tpu.memref_slice %arg3[%mul3A_2] : memref<2048xi32, #tpu.memory_space<hbm>> -> memref<64xi32, #tpu.memory_space<hbm>>
      %dma_start3A_8 = tpu.memref_slice %arg3[%mul3A_2] : memref<2048xi32, #tpu.memory_space<hbm>> -> memref<64xi32, #tpu.memory_space<hbm>>
      tpu.enqueue_dma source(%dma_start3A_8 : memref<64xi32, #tpu.memory_space<hbm>>) target(%arg5 : memref<64xi32, #tpu.memory_space<vmem>>) target_semaphore(%run_scoped3A : memref<!tpu.dma_semaphore, #tpu.memory_space<semaphore_mem>>)
      %dma_wait3A_9 = tpu.memref_slice %arg3[%mul3A_2] : memref<2048xi32, #tpu.memory_space<hbm>> -> memref<64xi32, #tpu.memory_space<hbm>>
      %dma_wait3A_10 = tpu.memref_slice %arg3[%mul3A_2] : memref<2048xi32, #tpu.memory_space<hbm>> -> memref<64xi32, #tpu.memory_space<hbm>>
      tpu.wait_dma2 semaphore(%run_scoped3A : memref<!tpu.dma_semaphore, #tpu.memory_space<semaphore_mem>>) src(%dma_wait3A_10 : memref<64xi32, #tpu.memory_space<hbm>>) dst(%arg5 : memref<64xi32, #tpu.memory_space<vmem>>)
      tpu.yield
    }) : () -> ()
    "tpu.region"() ({
      %run_scoped3A = tpu.sem_alloc : memref<!tpu.dma_semaphore, #tpu.memory_space<semaphore_mem>>
      %dma_start3A_7 = arith.constant 0 : i32
      %dma_start3A_8 = tpu.memref_slice %arg2[%mul3A_2, %dma_start3A_7] : memref<2048x1024xf32, #tpu.memory_space<hbm>> -> memref<64x1024xf32, #tpu.memory_space<hbm>>
      %dma_start3A_9 = arith.constant 0 : i32
      %dma_start3A_10 = tpu.memref_slice %arg2[%mul3A_2, %dma_start3A_9] : memref<2048x1024xf32, #tpu.memory_space<hbm>> -> memref<64x1024xf32, #tpu.memory_space<hbm>>
      tpu.enqueue_dma source(%dma_start3A_10 : memref<64x1024xf32, #tpu.memory_space<hbm>>) target(%arg6 : memref<64x1024xf32, #tpu.memory_space<vmem>>) target_semaphore(%run_scoped3A : memref<!tpu.dma_semaphore, #tpu.memory_space<semaphore_mem>>)
      %dma_wait3A_11 = arith.constant 0 : i32
      %dma_wait3A_12 = tpu.memref_slice %arg2[%mul3A_2, %dma_wait3A_11] : memref<2048x1024xf32, #tpu.memory_space<hbm>> -> memref<64x1024xf32, #tpu.memory_space<hbm>>
      %dma_wait3A_13 = arith.constant 0 : i32
      %dma_wait3A_14 = tpu.memref_slice %arg2[%mul3A_2, %dma_wait3A_13] : memref<2048x1024xf32, #tpu.memory_space<hbm>> -> memref<64x1024xf32, #tpu.memory_space<hbm>>
      tpu.wait_dma2 semaphore(%run_scoped3A : memref<!tpu.dma_semaphore, #tpu.memory_space<semaphore_mem>>) src(%dma_wait3A_14 : memref<64x1024xf32, #tpu.memory_space<hbm>>) dst(%arg6 : memref<64x1024xf32, #tpu.memory_space<vmem>>)
      tpu.yield
    }) : () -> ()
    %dma_start3A = arith.constant 0 : i32
    %dma_start3A_3 = arith.constant 0 : i32
    %dma_start3A_4 = tpu.memref_slice %arg4[%dma_start3A, %dma_start3A_3] : memref<2600x1024xf32, #tpu.memory_space<hbm>> -> memref<2600x1024xf32, #tpu.memory_space<hbm>>
    tpu.enqueue_indirect_dma source(%arg6 : memref<64x1024xf32, #tpu.memory_space<vmem>>) target(%dma_start3A_4 : memref<2600x1024xf32, #tpu.memory_space<hbm>>) offsets(%arg5 : memref<64xi32, #tpu.memory_space<vmem>>) semaphore(%arg7 : memref<!tpu.dma_semaphore, #tpu.memory_space<semaphore_mem>>)
    %dma_wait3A = arith.constant 0 : i32
    %dma_wait3A_5 = arith.constant 0 : i32
    %dma_wait3A_6 = tpu.memref_slice %arg4[%dma_wait3A, %dma_wait3A_5] : memref<2600x1024xf32, #tpu.memory_space<hbm>> -> memref<2600x1024xf32, #tpu.memory_space<hbm>>
    tpu.wait_indirect_dma semaphore(%arg7 : memref<!tpu.dma_semaphore, #tpu.memory_space<semaphore_mem>>) src(%arg6 : memref<64x1024xf32, #tpu.memory_space<vmem>>) dst(%dma_wait3A_6 : memref<2600x1024xf32, #tpu.memory_space<hbm>>)
    return
  }
}

#map = affine_map<(d0, d1) -> (0, 0)>
#map1 = affine_map<(d0, d1) -> (0)>
module attributes {stable_mosaic.version = 14 : i64} {
  func.func @combine(%arg0: i32, %arg1: i32, %arg2: memref<2600x1024xf32, #tpu.memory_space<hbm>>, %arg3: memref<2048xi32, #tpu.memory_space<hbm>>, %arg4: memref<2048x1024xf32, #tpu.memory_space<hbm>>, %arg5: memref<64xi32, #tpu.memory_space<vmem>>, %arg6: memref<64x1024xf32, #tpu.memory_space<vmem>>, %arg7: memref<!tpu.dma_semaphore, #tpu.memory_space<semaphore_mem>>) attributes {dimension_semantics = [#tpu.dimension_semantics<core_parallel>, #tpu.dimension_semantics<subcore_parallel>], iteration_bounds = array<i64: 2, 16>, scalar_prefetch = 0 : i64, scratch_operands = 3 : i64, tpu.core_type = #tpu.core_type<sc_vector_subcore>, window_params = [{transform_indices = #map}, {transform_indices = #map1}, {transform_indices = #map}]} {
    %mul3A = arith.constant 2 : i32
    %mul3A_0 = arith.muli %arg1, %mul3A : i32
    %add3A = arith.addi %mul3A_0, %arg0 : i32
    %mul3A_1 = arith.constant 64 : i32
    %mul3A_2 = arith.muli %add3A, %mul3A_1 : i32
    "tpu.region"() ({
      %run_scoped3A = tpu.sem_alloc : memref<!tpu.dma_semaphore, #tpu.memory_space<semaphore_mem>>
      %dma_start3A_7 = tpu.memref_slice %arg3[%mul3A_2] : memref<2048xi32, #tpu.memory_space<hbm>> -> memref<64xi32, #tpu.memory_space<hbm>>
      %dma_start3A_8 = tpu.memref_slice %arg3[%mul3A_2] : memref<2048xi32, #tpu.memory_space<hbm>> -> memref<64xi32, #tpu.memory_space<hbm>>
      tpu.enqueue_dma source(%dma_start3A_8 : memref<64xi32, #tpu.memory_space<hbm>>) target(%arg5 : memref<64xi32, #tpu.memory_space<vmem>>) target_semaphore(%run_scoped3A : memref<!tpu.dma_semaphore, #tpu.memory_space<semaphore_mem>>)
      %dma_wait3A_9 = tpu.memref_slice %arg3[%mul3A_2] : memref<2048xi32, #tpu.memory_space<hbm>> -> memref<64xi32, #tpu.memory_space<hbm>>
      %dma_wait3A_10 = tpu.memref_slice %arg3[%mul3A_2] : memref<2048xi32, #tpu.memory_space<hbm>> -> memref<64xi32, #tpu.memory_space<hbm>>
      tpu.wait_dma2 semaphore(%run_scoped3A : memref<!tpu.dma_semaphore, #tpu.memory_space<semaphore_mem>>) src(%dma_wait3A_10 : memref<64xi32, #tpu.memory_space<hbm>>) dst(%arg5 : memref<64xi32, #tpu.memory_space<vmem>>)
      tpu.yield
    }) : () -> ()
    %dma_start3A = arith.constant 0 : i32
    %dma_start3A_3 = arith.constant 0 : i32
    %dma_start3A_4 = tpu.memref_slice %arg2[%dma_start3A, %dma_start3A_3] : memref<2600x1024xf32, #tpu.memory_space<hbm>> -> memref<2600x1024xf32, #tpu.memory_space<hbm>>
    tpu.enqueue_indirect_dma source(%dma_start3A_4 : memref<2600x1024xf32, #tpu.memory_space<hbm>>) target(%arg6 : memref<64x1024xf32, #tpu.memory_space<vmem>>) offsets(%arg5 : memref<64xi32, #tpu.memory_space<vmem>>) semaphore(%arg7 : memref<!tpu.dma_semaphore, #tpu.memory_space<semaphore_mem>>)
    %dma_wait3A = arith.constant 0 : i32
    %dma_wait3A_5 = arith.constant 0 : i32
    %dma_wait3A_6 = tpu.memref_slice %arg2[%dma_wait3A, %dma_wait3A_5] : memref<2600x1024xf32, #tpu.memory_space<hbm>> -> memref<2600x1024xf32, #tpu.memory_space<hbm>>
    tpu.wait_indirect_dma semaphore(%arg7 : memref<!tpu.dma_semaphore, #tpu.memory_space<semaphore_mem>>) src(%dma_wait3A_6 : memref<2600x1024xf32, #tpu.memory_space<hbm>>) dst(%arg6 : memref<64x1024xf32, #tpu.memory_space<vmem>>)
    "tpu.region"() ({
      %run_scoped3A = tpu.sem_alloc : memref<!tpu.dma_semaphore, #tpu.memory_space<semaphore_mem>>
      %dma_start3A_7 = arith.constant 0 : i32
      %dma_start3A_8 = tpu.memref_slice %arg4[%mul3A_2, %dma_start3A_7] : memref<2048x1024xf32, #tpu.memory_space<hbm>> -> memref<64x1024xf32, #tpu.memory_space<hbm>>
      %dma_start3A_9 = arith.constant 0 : i32
      %dma_start3A_10 = tpu.memref_slice %arg4[%mul3A_2, %dma_start3A_9] : memref<2048x1024xf32, #tpu.memory_space<hbm>> -> memref<64x1024xf32, #tpu.memory_space<hbm>>
      tpu.enqueue_dma source(%arg6 : memref<64x1024xf32, #tpu.memory_space<vmem>>) target(%dma_start3A_10 : memref<64x1024xf32, #tpu.memory_space<hbm>>) target_semaphore(%run_scoped3A : memref<!tpu.dma_semaphore, #tpu.memory_space<semaphore_mem>>)
      %dma_wait3A_11 = arith.constant 0 : i32
      %dma_wait3A_12 = tpu.memref_slice %arg4[%mul3A_2, %dma_wait3A_11] : memref<2048x1024xf32, #tpu.memory_space<hbm>> -> memref<64x1024xf32, #tpu.memory_space<hbm>>
      %dma_wait3A_13 = arith.constant 0 : i32
      %dma_wait3A_14 = tpu.memref_slice %arg4[%mul3A_2, %dma_wait3A_13] : memref<2048x1024xf32, #tpu.memory_space<hbm>> -> memref<64x1024xf32, #tpu.memory_space<hbm>>
      tpu.wait_dma2 semaphore(%run_scoped3A : memref<!tpu.dma_semaphore, #tpu.memory_space<semaphore_mem>>) src(%arg6 : memref<64x1024xf32, #tpu.memory_space<vmem>>) dst(%dma_wait3A_14 : memref<64x1024xf32, #tpu.memory_space<hbm>>)
      tpu.yield
    }) : () -> ()
    return
  }
}

module attributes {stable_mosaic.version = 14 : i64} {
  func.func @_ffn_body(%arg0: i32, %arg1: memref<40x1024xf32, #tpu.memory_space<vmem>>, %arg2: memref<1x1024x1024xf32, #tpu.memory_space<vmem>>, %arg3: memref<1x1024x1024xf32, #tpu.memory_space<vmem>>, %arg4: memref<1x1024x1024xf32, #tpu.memory_space<vmem>>, %arg5: memref<40x1024xf32, #tpu.memory_space<vmem>>) attributes {dimension_semantics = [#tpu.dimension_semantics<arbitrary>], iteration_bounds = array<i64: 65>, scalar_prefetch = 0 : i64, scratch_operands = 0 : i64, tpu.core_type = #tpu.core_type<tc>, window_params = [{transform_indices = @transform_0, window_bounds = array<i64: 40, 1024>}, {transform_indices = @transform_1, window_bounds = array<i64: 1, 1024, 1024>}, {transform_indices = @transform_2, window_bounds = array<i64: 1, 1024, 1024>}, {transform_indices = @transform_3, window_bounds = array<i64: 1, 1024, 1024>}, {transform_indices = @transform_4, window_bounds = array<i64: 40, 1024>}]} {
    %lt3A = arith.constant 64 : i32
    %lt3A_0 = arith.cmpi slt, %arg0, %lt3A : i32
    %convert_element_type3A = arith.extui %lt3A_0 : i1 to i32
    %cond3A = arith.constant 0 : i32
    %cond3A_1 = arith.cmpi ne, %convert_element_type3A, %cond3A : i32
    scf.if %cond3A_1 {
      %get3A = arith.constant 0 : index
      %get3A_6 = arith.constant 0 : index
      %get3A_7 = vector.load %arg1[%get3A, %get3A_6] : memref<40x1024xf32, #tpu.memory_space<vmem>>, vector<40x1024xf32>
      %get3A_8 = arith.constant 0 : index
      %get3A_9 = arith.constant 0 : index
      %get3A_10 = arith.constant 0 : index
      %get3A_11 = vector.load %arg2[%get3A_8, %get3A_9, %get3A_10] : memref<1x1024x1024xf32, #tpu.memory_space<vmem>>, vector<1x1024x1024xf32>
      %get3A_12 = vector.shape_cast %get3A_11 : vector<1x1024x1024xf32> to vector<1024x1024xf32>
      %get3A_13 = arith.constant 0 : index
      %get3A_14 = arith.constant 0 : index
      %get3A_15 = arith.constant 0 : index
      %get3A_16 = vector.load %arg3[%get3A_13, %get3A_14, %get3A_15] : memref<1x1024x1024xf32, #tpu.memory_space<vmem>>, vector<1x1024x1024xf32>
      %get3A_17 = vector.shape_cast %get3A_16 : vector<1x1024x1024xf32> to vector<1024x1024xf32>
      %get3A_18 = arith.constant 0 : index
      %get3A_19 = arith.constant 0 : index
      %get3A_20 = arith.constant 0 : index
      %get3A_21 = vector.load %arg4[%get3A_18, %get3A_19, %get3A_20] : memref<1x1024x1024xf32, #tpu.memory_space<vmem>>, vector<1x1024x1024xf32>
      %get3A_22 = vector.shape_cast %get3A_21 : vector<1x1024x1024xf32> to vector<1024x1024xf32>
      %dot_general3A = arith.constant dense<0.000000e+00> : vector<40x1024xf32>
      %dot_general3A_23 = tpu.matmul %get3A_7, %get3A_12, %dot_general3A {dimension_numbers = #tpu.dot_dimension_numbers<[1], [1], [0], [0], [0, 0, 1, 0], [], []>, transpose_lhs_hint = false} : vector<40x1024xf32>, vector<1024x1024xf32>, vector<40x1024xf32> -> vector<40x1024xf32>
      %dot_general3A_24 = arith.constant dense<0.000000e+00> : vector<40x1024xf32>
      %dot_general3A_25 = tpu.matmul %get3A_7, %get3A_17, %dot_general3A_24 {dimension_numbers = #tpu.dot_dimension_numbers<[1], [1], [0], [0], [0, 0, 1, 0], [], []>, transpose_lhs_hint = false} : vector<40x1024xf32>, vector<1024x1024xf32>, vector<40x1024xf32> -> vector<40x1024xf32>
      %logistic3A = arith.negf %dot_general3A_23 : vector<40x1024xf32>
      %logistic3A_26 = math.exp %logistic3A : vector<40x1024xf32>
      %logistic3A_27 = arith.constant 1.000000e+00 : f32
      %logistic3A_28 = vector.broadcast %logistic3A_27 : f32 to vector<40x1024xf32>
      %logistic3A_29 = arith.addf %logistic3A_28, %logistic3A_26 : vector<40x1024xf32>
      %logistic3A_30 = arith.divf %logistic3A_28, %logistic3A_29 : vector<40x1024xf32>
      %mul3A = arith.mulf %dot_general3A_23, %logistic3A_30 : vector<40x1024xf32>
      %mul3A_31 = arith.mulf %mul3A, %dot_general3A_25 : vector<40x1024xf32>
      %dot_general3A_32 = arith.constant dense<0.000000e+00> : vector<40x1024xf32>
      %dot_general3A_33 = tpu.matmul %mul3A_31, %get3A_22, %dot_general3A_32 {dimension_numbers = #tpu.dot_dimension_numbers<[1], [1], [0], [0], [0, 0, 1, 0], [], []>, transpose_lhs_hint = false} : vector<40x1024xf32>, vector<1024x1024xf32>, vector<40x1024xf32> -> vector<40x1024xf32>
      %swap3A = arith.constant 0 : index
      %swap3A_34 = arith.constant 0 : index
      %swap3A_35 = vector.load %arg5[%swap3A, %swap3A_34] : memref<40x1024xf32, #tpu.memory_space<vmem>>, vector<40x1024xf32>
      tpu.vector_store %arg5[%swap3A, %swap3A_34], %dot_general3A_33 {strides = array<i32>} : memref<40x1024xf32, #tpu.memory_space<vmem>>, vector<40x1024xf32>,
    } else {
    }
    %eq3A = arith.constant 64 : i32
    %eq3A_2 = arith.cmpi eq, %arg0, %eq3A : i32
    %convert_element_type3A_3 = arith.extui %eq3A_2 : i1 to i32
    %cond3A_4 = arith.constant 0 : i32
    %cond3A_5 = arith.cmpi ne, %convert_element_type3A_3, %cond3A_4 : i32
    scf.if %cond3A_5 {
      %broadcast_in_dim3A = arith.constant 0.000000e+00 : f32
      %broadcast_in_dim3A_6 = vector.broadcast %broadcast_in_dim3A : f32 to vector<40x1024xf32>
      %swap3A = arith.constant 0 : index
      %swap3A_7 = arith.constant 0 : index
      %swap3A_8 = vector.load %arg5[%swap3A, %swap3A_7] : memref<40x1024xf32, #tpu.memory_space<vmem>>, vector<40x1024xf32>
      tpu.vector_store %arg5[%swap3A, %swap3A_7], %broadcast_in_dim3A_6 {strides = array<i32>} : memref<40x1024xf32, #tpu.memory_space<vmem>>, vector<40x1024xf32>,
    } else {
    }
    return
  }
  func.func @transform_0(%arg0: i32) -> (i32, i32) {
    %c0_i32 = arith.constant 0 : i32
    %c0_i32_0 = arith.constant 0 : i32
    return %arg0, %c0_i32 : i32, i32
  }
  func.func @transform_1(%arg0: i32) -> (i32, i32, i32) {
    %min3A = arith.constant 63 : i32
    %min3A_0 = arith.minsi %arg0, %min3A : i32
    %c0_i32 = arith.constant 0 : i32
    %c0_i32_1 = arith.constant 0 : i32
    %c0_i32_2 = arith.constant 0 : i32
    return %min3A_0, %c0_i32, %c0_i32_1 : i32, i32, i32
  }
  func.func @transform_2(%arg0: i32) -> (i32, i32, i32) {
    %min3A = arith.constant 63 : i32
    %min3A_0 = arith.minsi %arg0, %min3A : i32
    %c0_i32 = arith.constant 0 : i32
    %c0_i32_1 = arith.constant 0 : i32
    %c0_i32_2 = arith.constant 0 : i32
    return %min3A_0, %c0_i32, %c0_i32_1 : i32, i32, i32
  }
  func.func @transform_3(%arg0: i32) -> (i32, i32, i32) {
    %min3A = arith.constant 63 : i32
    %min3A_0 = arith.minsi %arg0, %min3A : i32
    %c0_i32 = arith.constant 0 : i32
    %c0_i32_1 = arith.constant 0 : i32
    %c0_i32_2 = arith.constant 0 : i32
    return %min3A_0, %c0_i32, %c0_i32_1 : i32, i32, i32
  }
  func.func @transform_4(%arg0: i32) -> (i32, i32) {
    %c0_i32 = arith.constant 0 : i32
    %c0_i32_0 = arith.constant 0 : i32
    return %arg0, %c0_i32 : i32, i32
  }
}

module attributes {stable_mosaic.version = 14 : i64} {
  func.func @_router_body(%arg0: memref<2048x1024xf32, #tpu.memory_space<vmem>>, %arg1: memref<64x1024xf32, #tpu.memory_space<vmem>>, %arg2: memref<2048x1xi32, #tpu.memory_space<vmem>>) attributes {dimension_semantics = [], scalar_prefetch = 0 : i64, scratch_operands = 0 : i64, tpu.core_type = #tpu.core_type<tc>} {
    %get3A = arith.constant 0 : index
    %get3A_0 = arith.constant 0 : index
    %get3A_1 = vector.load %arg0[%get3A, %get3A_0] : memref<2048x1024xf32, #tpu.memory_space<vmem>>, vector<2048x1024xf32>
    %get3A_2 = arith.constant 0 : index
    %get3A_3 = arith.constant 0 : index
    %get3A_4 = vector.load %arg1[%get3A_2, %get3A_3] : memref<64x1024xf32, #tpu.memory_space<vmem>>, vector<64x1024xf32>
    %dot_general3A = arith.constant dense<0.000000e+00> : vector<2048x64xf32>
    %dot_general3A_5 = tpu.matmul %get3A_1, %get3A_4, %dot_general3A {dimension_numbers = #tpu.dot_dimension_numbers<[1], [1], [0], [0], [0, 0, 1, 0], [], []>, transpose_lhs_hint = false} : vector<2048x1024xf32>, vector<64x1024xf32>, vector<2048x64xf32> -> vector<2048x64xf32>
    %reduce_max3A = arith.constant dense<0xFF800000> : vector<2048xf32>
    %reduce_max3A_6 = vector.multi_reduction <maximumf>, %dot_general3A_5, %reduce_max3A [1] : vector<2048x64xf32> to vector<2048xf32>
    %broadcast_in_dim3A = vector.shape_cast %reduce_max3A_6 : vector<2048xf32> to vector<2048x1xf32>
    %iota3A = tpu.iota {dimensions = array<i32: 1>} : vector<2048x64xi32>
    %ge3A = vector.broadcast %broadcast_in_dim3A : vector<2048x1xf32> to vector<2048x64xf32>
    %ge3A_7 = arith.cmpf oge, %dot_general3A_5, %ge3A : vector<2048x64xf32>
    %jit3A = arith.constant 64 : i32
    %broadcast_in_dim3A_8 = vector.broadcast %jit3A : i32 to vector<2048x64xi32>
    %select_n3A = arith.select %ge3A_7, %iota3A, %broadcast_in_dim3A_8 : vector<2048x64xi1>, vector<2048x64xi32>
    %reduce_min3A = arith.constant dense<2147483647> : vector<2048xi32>
    %reduce_min3A_9 = vector.multi_reduction <minsi>, %select_n3A, %reduce_min3A [1] : vector<2048x64xi32> to vector<2048xi32>
    %broadcast_in_dim3A_10 = vector.shape_cast %reduce_min3A_9 : vector<2048xi32> to vector<2048x1xi32>
    %eq3A = vector.broadcast %broadcast_in_dim3A_10 : vector<2048x1xi32> to vector<2048x64xi32>
    %eq3A_11 = arith.cmpi eq, %iota3A, %eq3A : vector<2048x64xi32>
    %convert_element_type3A = arith.extui %eq3A_11 : vector<2048x64xi1> to vector<2048x64xi32>
    %broadcast_in_dim3A_12 = arith.constant 0 : i32
    %broadcast_in_dim3A_13 = vector.broadcast %broadcast_in_dim3A_12 : i32 to vector<1x64xi32>
    %slice3A = vector.extract_strided_slice %convert_element_type3A {offsets = [0, 0], sizes = [2047, 64], strides = [1, 1]} : vector<2048x64xi32> to vector<2047x64xi32>
    %concatenate3A = tpu.concatenate %broadcast_in_dim3A_13, %slice3A in 0 : vector<1x64xi32>, vector<2047x64xi32> -> vector<2048x64xi32>
    %add3A = arith.addi %convert_element_type3A, %concatenate3A : vector<2048x64xi32>
    %broadcast_in_dim3A_14 = arith.constant 0 : i32
    %broadcast_in_dim3A_15 = vector.broadcast %broadcast_in_dim3A_14 : i32 to vector<2x64xi32>
    %slice3A_16 = vector.extract_strided_slice %add3A {offsets = [0, 0], sizes = [2046, 64], strides = [1, 1]} : vector<2048x64xi32> to vector<2046x64xi32>
    %concatenate3A_17 = tpu.concatenate %broadcast_in_dim3A_15, %slice3A_16 in 0 : vector<2x64xi32>, vector<2046x64xi32> -> vector<2048x64xi32>
    %add3A_18 = arith.addi %add3A, %concatenate3A_17 : vector<2048x64xi32>
    %broadcast_in_dim3A_19 = arith.constant 0 : i32
    %broadcast_in_dim3A_20 = vector.broadcast %broadcast_in_dim3A_19 : i32 to vector<4x64xi32>
    %slice3A_21 = vector.extract_strided_slice %add3A_18 {offsets = [0, 0], sizes = [2044, 64], strides = [1, 1]} : vector<2048x64xi32> to vector<2044x64xi32>
    %concatenate3A_22 = tpu.concatenate %broadcast_in_dim3A_20, %slice3A_21 in 0 : vector<4x64xi32>, vector<2044x64xi32> -> vector<2048x64xi32>
    %add3A_23 = arith.addi %add3A_18, %concatenate3A_22 : vector<2048x64xi32>
    %broadcast_in_dim3A_24 = arith.constant 0 : i32
    %broadcast_in_dim3A_25 = vector.broadcast %broadcast_in_dim3A_24 : i32 to vector<8x64xi32>
    %slice3A_26 = vector.extract_strided_slice %add3A_23 {offsets = [0, 0], sizes = [2040, 64], strides = [1, 1]} : vector<2048x64xi32> to vector<2040x64xi32>
    %concatenate3A_27 = tpu.concatenate %broadcast_in_dim3A_25, %slice3A_26 in 0 : vector<8x64xi32>, vector<2040x64xi32> -> vector<2048x64xi32>
    %add3A_28 = arith.addi %add3A_23, %concatenate3A_27 : vector<2048x64xi32>
    %broadcast_in_dim3A_29 = arith.constant 0 : i32
    %broadcast_in_dim3A_30 = vector.broadcast %broadcast_in_dim3A_29 : i32 to vector<16x64xi32>
    %slice3A_31 = vector.extract_strided_slice %add3A_28 {offsets = [0, 0], sizes = [2032, 64], strides = [1, 1]} : vector<2048x64xi32> to vector<2032x64xi32>
    %concatenate3A_32 = tpu.concatenate %broadcast_in_dim3A_30, %slice3A_31 in 0 : vector<16x64xi32>, vector<2032x64xi32> -> vector<2048x64xi32>
    %add3A_33 = arith.addi %add3A_28, %concatenate3A_32 : vector<2048x64xi32>
    %broadcast_in_dim3A_34 = arith.constant 0 : i32
    %broadcast_in_dim3A_35 = vector.broadcast %broadcast_in_dim3A_34 : i32 to vector<32x64xi32>
    %slice3A_36 = vector.extract_strided_slice %add3A_33 {offsets = [0, 0], sizes = [2016, 64], strides = [1, 1]} : vector<2048x64xi32> to vector<2016x64xi32>
    %concatenate3A_37 = tpu.concatenate %broadcast_in_dim3A_35, %slice3A_36 in 0 : vector<32x64xi32>, vector<2016x64xi32> -> vector<2048x64xi32>
    %add3A_38 = arith.addi %add3A_33, %concatenate3A_37 : vector<2048x64xi32>
    %broadcast_in_dim3A_39 = arith.constant 0 : i32
    %broadcast_in_dim3A_40 = vector.broadcast %broadcast_in_dim3A_39 : i32 to vector<64x64xi32>
    %slice3A_41 = vector.extract_strided_slice %add3A_38 {offsets = [0, 0], sizes = [1984, 64], strides = [1, 1]} : vector<2048x64xi32> to vector<1984x64xi32>
    %concatenate3A_42 = tpu.concatenate %broadcast_in_dim3A_40, %slice3A_41 in 0 : vector<64x64xi32>, vector<1984x64xi32> -> vector<2048x64xi32>
    %add3A_43 = arith.addi %add3A_38, %concatenate3A_42 : vector<2048x64xi32>
    %broadcast_in_dim3A_44 = arith.constant 0 : i32
    %broadcast_in_dim3A_45 = vector.broadcast %broadcast_in_dim3A_44 : i32 to vector<128x64xi32>
    %slice3A_46 = vector.extract_strided_slice %add3A_43 {offsets = [0, 0], sizes = [1920, 64], strides = [1, 1]} : vector<2048x64xi32> to vector<1920x64xi32>
    %concatenate3A_47 = tpu.concatenate %broadcast_in_dim3A_45, %slice3A_46 in 0 : vector<128x64xi32>, vector<1920x64xi32> -> vector<2048x64xi32>
    %add3A_48 = arith.addi %add3A_43, %concatenate3A_47 : vector<2048x64xi32>
    %broadcast_in_dim3A_49 = arith.constant 0 : i32
    %broadcast_in_dim3A_50 = vector.broadcast %broadcast_in_dim3A_49 : i32 to vector<256x64xi32>
    %slice3A_51 = vector.extract_strided_slice %add3A_48 {offsets = [0, 0], sizes = [1792, 64], strides = [1, 1]} : vector<2048x64xi32> to vector<1792x64xi32>
    %concatenate3A_52 = tpu.concatenate %broadcast_in_dim3A_50, %slice3A_51 in 0 : vector<256x64xi32>, vector<1792x64xi32> -> vector<2048x64xi32>
    %add3A_53 = arith.addi %add3A_48, %concatenate3A_52 : vector<2048x64xi32>
    %broadcast_in_dim3A_54 = arith.constant 0 : i32
    %broadcast_in_dim3A_55 = vector.broadcast %broadcast_in_dim3A_54 : i32 to vector<512x64xi32>
    %slice3A_56 = vector.extract_strided_slice %add3A_53 {offsets = [0, 0], sizes = [1536, 64], strides = [1, 1]} : vector<2048x64xi32> to vector<1536x64xi32>
    %concatenate3A_57 = tpu.concatenate %broadcast_in_dim3A_55, %slice3A_56 in 0 : vector<512x64xi32>, vector<1536x64xi32> -> vector<2048x64xi32>
    %add3A_58 = arith.addi %add3A_53, %concatenate3A_57 : vector<2048x64xi32>
    %broadcast_in_dim3A_59 = arith.constant 0 : i32
    %broadcast_in_dim3A_60 = vector.broadcast %broadcast_in_dim3A_59 : i32 to vector<1024x64xi32>
    %slice3A_61 = vector.extract_strided_slice %add3A_58 {offsets = [0, 0], sizes = [1024, 64], strides = [1, 1]} : vector<2048x64xi32> to vector<1024x64xi32>
    %concatenate3A_62 = tpu.concatenate %broadcast_in_dim3A_60, %slice3A_61 in 0 : vector<1024x64xi32>, vector<1024x64xi32> -> vector<2048x64xi32>
    %add3A_63 = arith.addi %add3A_58, %concatenate3A_62 : vector<2048x64xi32>
    %mul3A = arith.muli %add3A_63, %convert_element_type3A : vector<2048x64xi32>
    %reduce_sum3A = arith.constant dense<0> : vector<2048xi32>
    %reduce_sum3A_64 = vector.multi_reduction <add>, %mul3A, %reduce_sum3A [1] : vector<2048x64xi32> to vector<2048xi32>
    %broadcast_in_dim3A_65 = vector.shape_cast %reduce_sum3A_64 : vector<2048xi32> to vector<2048x1xi32>
    %sub3A = arith.constant 1 : i32
    %sub3A_66 = vector.broadcast %sub3A : i32 to vector<2048x1xi32>
    %sub3A_67 = arith.subi %broadcast_in_dim3A_65, %sub3A_66 : vector<2048x1xi32>
    %mul3A_68 = arith.constant 40 : i32
    %mul3A_69 = vector.broadcast %mul3A_68 : i32 to vector<2048x1xi32>
    %mul3A_70 = arith.muli %broadcast_in_dim3A_10, %mul3A_69 : vector<2048x1xi32>
    %add3A_71 = arith.addi %mul3A_70, %sub3A_67 : vector<2048x1xi32>
    %lt3A = arith.constant 40 : i32
    %lt3A_72 = vector.broadcast %lt3A : i32 to vector<2048x1xi32>
    %lt3A_73 = arith.cmpi slt, %sub3A_67, %lt3A_72 : vector<2048x1xi32>
    %jit3A_74 = arith.constant 2560 : i32
    %broadcast_in_dim3A_75 = vector.broadcast %jit3A_74 : i32 to vector<2048x1xi32>
    %select_n3A_76 = arith.select %lt3A_73, %add3A_71, %broadcast_in_dim3A_75 : vector<2048x1xi1>, vector<2048x1xi32>
    %swap3A = arith.constant 0 : index
    %swap3A_77 = arith.constant 0 : index
    %swap3A_78 = vector.load %arg2[%swap3A, %swap3A_77] : memref<2048x1xi32, #tpu.memory_space<vmem>>, vector<2048x1xi32>
    tpu.vector_store %arg2[%swap3A, %swap3A_77], %select_n3A_76 {strides = array<i32>} : memref<2048x1xi32, #tpu.memory_space<vmem>>, vector<2048x1xi32>,
    return
  }
}

</mosaic_0001>

<sc_bundles>
// kernel: kernel.6.cloned.1.call-start
scs
__scs_entry_jumppad:
0x0: {  	(pc) =	sbr.rel $0x88, $3  }
0x1: {  	(tag) =	ssettag $0x0;
	lr =	simm.s32 $0x1  }
0x2: {  	[smem:$0x3F9C] =	sst lr;
	_ =	strace $0xD0000000  }
0x3: {  	_ = 	snop  }
0x4: {  	_ = 	snop  }
0x5: {  	_ = 	snop  }
0x6: {  	_ = 	snop  }
0x7: {  	_ = 	snop  }
__scs_overlays_trampoline_lowered:
0x8: {  	[smem:$0x3FAB] =	sst s0  }
0x9: {  	[smem:$0x3FAC] =	sst s1  }
0xa: {  	[smem:$0x3FAD] =	sst s2  }
0xb: {  	[smem:$0x3FAE] =	sst s3  }
0xc: {  	[smem:$0x3FAF] =	sst s4  }
0xd: {  	[smem:$0x3FB0] =	sst s5  }
0xe: {  	[smem:$0x3FB1] =	sst s6  }
0xf: {  	[smem:$0x3FB2] =	sst s7  }
0x10: {  	[smem:$0x3FB3] =	sst s8  }
0x11: {  	[smem:$0x3FB4] =	sst s9;
	s0 =	simm.s32 @!p0 $0x0  }
0x12: {  	s1 =	sld [smem:$0x3F9A];
	s0 =	simm.s32 @p0 $0x1  }
0x13: {  	[smem:$0x3FB5] =	sst s0;
	s0 =	simm.s32 @!p1 $0x0  }
0x14: {  	s2 =	sld [smem:$0x3F99];
	s0 =	simm.s32 @p1 $0x1  }
0x15: {  	[smem:$0x3FB6] =	sst s0;
	s0 =	simm.s32 @!p2 $0x0  }
0x16: {  	s3 =	sld [smem:$0x3FDB];
	s0 =	simm.s32 @p2 $0x1  }
0x17: {  	s4 =	simm.s32 $0x1BF5;
	[smem:$0x3FB8] =	sst s0  }
0x18: {  	s0 =	sld [smem:$0x3F9B];
	_ =	swait.ge [sflag:s4], $0x0  }
0x19: {  	s7 =	sld [smem:$0x3F9C]  }
0x1a: {  	s8 =	sadd.s32 $0xFFFFE003, lr  }
0x1b: {  	s9 =	sadd.s32 $0xFFFFFEF7, lr;
	s5 =	simm.s32 $0xFFFFFFFF;
	p2 =	slt.u32 s8, $0xFFFFF086  }
0x1c: {  	p1 =	slt.u32 s9, $0xF7A;
	s5 =	simm.s32 @!p2 $0x0  }
0x1d: {  	s5 =	simm.s32 @p1 $0x1;
	p0 =	seq.s32 s7, s2  }
0x1e: {  	s7 =	smul.u32 @!p0 $0xF7A, s2;
	p2 =	seq.s32 @!p0 s5, $0x0  }
0x1f: {  	s9 =	smul.u32 $0xF7A, s1;
	s8 =	simm.s32 @!p0 $0x1BF5;
	p2 =	por !p2, p0  }
0x20: {  	[sflag:s8] =	ssyncset.s32 @!p0 $0xFFFFF086;
	s6 =	sadd.s32 @!p0 s3, s7;
	s7 =	simm.s32 @!p0 $0x108  }
0x21: {  	s3 =	sadd.s32 s3, s9;
	s6 =	sadd.s32 @!p0 $0x88, s6;
	s7 =	simm.s32 @p2 $0x1082  }
0x22: {  	[simem:s7], [sflag:s8] =	dma.local @!p0 [hbm:s6], $0xF7A  }
0x23: {  	s9 =	sor.u32 $0xD0000000, s2;
	s6 =	simm.s32 $0x108;
	_ =	swait.ge @!p0 [sflag:s8], $0x0  }
0x24: {  	s3 =	sadd.s32 $0x88, s3;
	s6 =	simm.s32 @!p1 $0x1082;
	[sflag:s4] =	ssyncset.s32 $0xFFFFF086  }
0x25: {  	[simem:s6], [sflag:s4] =	dma.local [hbm:s3], $0xF7A  }
0x26: {  	[smem:$0x3F9C] =	sst s1;
	(tag) =	ssettag s2;
	_ =	strace s9  }
0x27: {  	s1 =	sld [smem:$0x3FAC]  }
0x28: {  	s2 =	sld [smem:$0x3FAD]  }
0x29: {  	s4 =	sld [smem:$0x3FAF]  }
0x2a: {  	p0 =	seq.s32 s5, $0x0;
	s5 =	sld [smem:$0x3FB0]  }
0x2b: {  	s6 =	sld [smem:$0x3FB1]  }
0x2c: {  	s7 =	sld [smem:$0x3FB2]  }
0x2d: {  	s3 =	simm.s32 $0x108;
	s8 =	sld [smem:$0x3FB3]  }
0x2e: {  	s3 =	simm.s32 @!p0 $0x1082;
	s9 =	sld [smem:$0x3FB4]  }
0x2f: {  	lr =	sadd.s32 s0, s3;
	s0 =	sld [smem:$0x3FAB]  }
0x30: {  	s3 =	sld [smem:$0x3FAE]  }
0x31: {  	[smem:$0x3FB7] =	sst s10  }
0x32: {  	s10 =	sld [smem:$0x3FB5];
	_ =	sdelay $0x3  }
0x33: {  	p0 =	seq.s32 s10, $0x1;
	s10 =	sld [smem:$0x3FB7];
	_ =	sdelay $0x3  }
0x34: {  	[smem:$0x3FB7] =	sst s10  }
0x35: {  	s10 =	sld [smem:$0x3FB6];
	_ =	sdelay $0x3  }
0x36: {  	p1 =	seq.s32 s10, $0x1;
	s10 =	sld [smem:$0x3FB7];
	_ =	sdelay $0x3  }
0x37: {  	[smem:$0x3FB7] =	sst s10  }
0x38: {  	s10 =	sld [smem:$0x3FB8]  }
0x39: {  	_ = 	snop;
	(pc) =	sbr.ind lr, $3  }
0x3a: {  	_ = 	snop  }
0x3b: {  	_ = 	snop  }
0x3c: {  	p2 =	seq.s32 s10, $0x1;
	s10 =	sld [smem:$0x3FB7]  }
0x3d: {  	_ =	shalt  }
0x3e: {  	_ =	shalt  }
0x3f: {  	_ =	shalt  }
0x40: {  	_ =	shalt  }
0x41: {  	_ =	shalt  }
0x42: {  	_ =	shalt  }
0x43: {  	_ =	shalt  }
0x44: {  	_ =	shalt  }
0x45: {  	_ =	shalt  }
0x46: {  	_ =	shalt  }
0x47: {  	_ =	shalt  }
0x48: {  	_ =	shalt  }
0x49: {  	_ =	shalt  }
0x4a: {  	_ =	shalt  }
0x4b: {  	_ =	shalt  }
0x4c: {  	_ =	shalt  }
0x4d: {  	_ =	shalt  }
0x4e: {  	_ =	shalt  }
0x4f: {  	_ =	shalt  }
0x50: {  	_ =	shalt  }
0x51: {  	_ =	shalt  }
0x52: {  	_ =	shalt  }
0x53: {  	_ =	shalt  }
0x54: {  	_ =	shalt  }
0x55: {  	_ =	shalt  }
0x56: {  	_ =	shalt  }
0x57: {  	_ =	shalt  }
0x58: {  	_ =	shalt  }
0x59: {  	_ =	shalt  }
0x5a: {  	_ =	shalt  }
0x5b: {  	_ =	shalt  }
0x5c: {  	_ =	shalt  }
0x5d: {  	_ =	shalt  }
0x5e: {  	_ =	shalt  }
0x5f: {  	_ =	shalt  }
0x60: {  	_ =	shalt  }
0x61: {  	_ =	shalt  }
0x62: {  	_ =	shalt  }
0x63: {  	_ =	shalt  }
0x64: {  	_ =	shalt  }
0x65: {  	_ =	shalt  }
0x66: {  	_ =	shalt  }
0x67: {  	_ =	shalt  }
0x68: {  	_ =	shalt  }
0x69: {  	_ =	shalt  }
0x6a: {  	_ =	shalt  }
0x6b: {  	_ =	shalt  }
0x6c: {  	_ =	shalt  }
0x6d: {  	_ =	shalt  }
0x6e: {  	_ =	shalt  }
0x6f: {  	_ =	shalt  }
0x70: {  	_ =	shalt  }
0x71: {  	_ =	shalt  }
0x72: {  	_ =	shalt  }
0x73: {  	_ =	shalt  }
0x74: {  	_ =	shalt  }
0x75: {  	_ =	shalt  }
0x76: {  	_ =	shalt  }
0x77: {  	_ =	shalt  }
0x78: {  	_ =	shalt  }
0x79: {  	_ =	shalt  }
0x7a: {  	_ =	shalt  }
0x7b: {  	_ =	shalt  }
0x7c: {  	_ =	shalt  }
0x7d: {  	_ =	shalt  }
0x7e: {  	_ =	shalt  }
0x7f: {  	_ =	shalt  }
0x80: {  	_ =	shalt  }
0x81: {  	_ =	shalt  }
0x82: {  	_ =	shalt  }
0x83: {  	_ =	shalt  }
0x84: {  	_ =	shalt  }
0x85: {  	_ =	shalt  }
0x86: {  	_ =	shalt  }
0x87: {  	_ =	shalt  }
.Lfunc_end0:
.L_simem_size_0:
called_computation_lowered:
.L_overlay_start_0:
0x88: {  	s2 =	sld [smem:$0x3FD9]  }
0x89: {  	s3 =	sld [smem:$0x3FFE];
	_ =	sdelay $0x1  }
0x8a: {  	s1 =	srdreg.scid  }
0x8b: {  	s0 =	sand.u32 $0x1, s1  }
0x8c: {  	s17 =	sshll.u32 s0, $0xA;
	s2 =	sadd.s32 s3, s2  }
0x8d: {  	s2 =	sadd.s32 s2, s17  }
0x8e: {  	[smem:$0x3FC3] =	sst s2  }
0x8f: {  	_ = 	snop  }
0x90: {  	s2 =	sld [smem:$0x3FC9];
	(tm) =	ssettm $0x1  }
0x91: {  	s18 =	sld [smem:$0x3FFB];
	_ =	sdelay $0x3  }
0x92: {  	_ =	strace s18  }
0x93: {  	s3 =	sld [smem:$0x3FFC];
	_ =	sdelay $0x3  }
0x94: {  	_ =	strace s3  }
0x95: {  	s3 =	sld [smem:$0x3FFD];
	_ =	sdelay $0x3  }
0x96: {  	_ =	strace s3  }
0x97: {  	_ =	strace $0x8FFFFFFF  }
0x98: {  	s19 =	sld [smem:$0x3FDB];
	_ =	sdelay $0x1  }
0x99: {  	s4 =	simm.s32 $_scs_section_size  }
0x9a: {  	s5 =	simm.s32 $_size__tile_overlayer_lowered;
	s6 =	simm.s32 $_tile_overlayer_lowered  }
0x9b: {  	s22 =	simm.s32 $0x1BFF;
	s21 =	sshll.u32 s6, $0x1;
	s3 =	sadd.s32 s4, s19  }
0x9c: {  	s7 =	simm.s32 $0x0;
	s20 =	sshll.u32 s5, $0x1;
	s5 =	sadd.s32 s21, s3  }
0x9d: {  	[timem:s7], [sflag:s22] =	dma.local [hbm:s5], s20  }
0x9e: {  	_ =	swait.ge [sflag:s22], s20  }
0x9f: {  	s4 =	ssub.s32 $0x0, s20;
	[sflag:s22] =	ssyncset.done $0x0  }
0xa0: {  	[sflag:s22] =	ssyncadd.s32 s4;
	_ =	sdelay $0x1  }
0xa1: {  	s23 =	simm.s32 $0x1B8B  }
0xa2: {  	_ =	swait.ge [sflag:s23], $0x1  }
0xa3: {  	[sflag:s23] =	ssyncset.done $0x0  }
0xa4: {  	s25 =	simm.s32 $0x1B8E;
	s24 =	sld [smem:$0x3FFE];
	[sflag:s23] =	ssyncadd.s32 $0xFFFFFFFF  }
0xa5: {  	s26 =	simm.s32 $execute0_lowered;
	[smem:$0x3FD2] =	sst s25  }
0xa6: {  	s5 =	sshll.u32 s26, $0x1;
	_ =	strace $0x80000046;
	[dreg:$0x1] =	wrdreg $0xFFFFFFFF  }
0xa7: {  	s28 =	simm.s32 $_size_execute0_lowered;
	s3 =	sadd.s32 s3, s5;
	[dreg:$0x0] =	wrdreg $0x0  }
0xa8: {  	s5 =	sshll.u32 s28, $0x1;
	[dreg:$0x2] =	wrdreg s3  }
0xa9: {  	[dreg:$0x3] =	wrdreg s5  }
0xaa: {  	[dreg:$0x4] =	wrdreg $0xC0  }
0xab: {  	_ =	task [dreg:s7], $0x5FFFF  }
0xac: {  	[dreg:$0x1] =	wrdreg $0xFFFFFFFF  }
0xad: {  	[dreg:$0x0] =	wrdreg $0x60  }
0xae: {  	[dreg:$0x2] =	wrdreg s2  }
0xaf: {  	[dreg:$0x3] =	wrdreg s24  }
0xb0: {  	[dreg:$0x4] =	wrdreg $0x9  }
0xb1: {  	_ =	task.clear_ibuf [dreg:s7], $0x5FFFF;
	_ =	strace $0x90000046  }
0xb2: {  	s29 =	simm.s32 $0x9;
	_ =	strace $0x80000048  }
0xb3: {  	_ =	swait.ge [sflag:s29], $0x1  }
0xb4: {  	[sflag:s29] =	ssyncadd.s32 $0xFFFFFFFF  }
0xb5: {  	_ =	strace $0x90000048  }
0xb6: {  	_ =	sfence  }
0xb7: {  	s30 =	sld [smem:$0x0];
	_ =	sdelay $0x2  }
0xb8: {  	s31 =	sshll.u32 s1, $0xD;
	s1 =	sshrl.u32 s1, $0x2  }
0xb9: {  	s3 =	sand.u32 $0x4000, s31;
	s1 =	sadd.s32 s1, s30  }
0xba: {  	s0 =	sor.u32 s3, s0;
	s1 =	sshll.u32 s1, $0x11  }
0xbb: {  	s0 =	sor.u32 s1, s0  }
0xbc: {  	s0 =	sadd.s32 $0x8F2B, s0  }
0xbd: {  	[sflag:s0] =	ssyncadd.remote.s32 $0x1  }
0xbe: {  	_ =	sfence.sel $0xFFFF  }
0xbf: {  	[dreg:$0x0] =	wrdreg $0xFFFFFFFF;
	(pc) =	sbr.abs _section_cstart, $3  }
0xc0: {  	[dreg:$0x1] =	wrdreg $0xFFFFFFFF  }
0xc1: {  	_ =	task.clear_ibuf [dreg:s7], $0x2FFFF;
	_ =	strace $0x9FFFFFFF  }
0xc2: {  	(tm) =	ssettm $0x7FFFFFFF  }
0xc3: {  	_ =	shalt  }
tec
execute0_lowered:
.L_overlay_start_1:
0x0: {  	(tag) =	ssettag $0x1  }
0x1: {  	s1 =	srdreg.scid  }
0x2: {  	s0 =	stileid.u32;
	s3 =	rddreg [dreg:$0x0]  }
0x3: {  	s6 =	rddreg [dreg:$0x1];
	s18 =	simm.s32 $0x880;
	s19 =	simm.s32 $0x1080  }
0x4: {  	s20 =	simm.s32 $0x1880;
	s22 =	simm.s32 $0x2080;
	s23 =	simm.s32 $0x2880  }
0x5: {  	s7 =	simm.s32 $0x3080;
	s24 =	simm.s32 $0x3880;
	s8 =	simm.s32 $0x4080  }
0x6: {  	s25 =	simm.s32 $0x4880;
	s26 =	simm.s32 $0x5080;
	s1 =	sand.u32 $0x1, s1  }
0x7: {  	s9 =	simm.s32 $0x80;
	s2 =	sshll.u32 s0, $0x7;
	s4 =	sshll.u32 s1, $0x6  }
0x8: {  	s11 =	simm.s32 $0x6080;
	s4 =	sor.u32 s4, s2;
	s2 =	simm.s32 $0x0  }
0x9: {  	s12 =	simm.s32 $0x6880;
	s13 =	simm.s32 $0x7080;
	[smem:$0x7FF] =	sst s2  }
0xa: {  	s14 =	simm.s32 $0x7880;
	_ =	strace $0x80000047;
	[dreg:$0x5] =	wrdreg s18  }
0xb: {  	s15 =	simm.s32 $0x8080;
	s16 =	simm.s32 $0x8880;
	[dreg:$0x6] =	wrdreg s19  }
0xc: {  	s17 =	simm.s32 $0x9080;
	s28 =	simm.s32 $0xE080;
	[dreg:$0x7] =	wrdreg s20  }
0xd: {  	s29 =	simm.s32 $0xE880;
	s30 =	simm.s32 $0xF080;
	[dreg:$0x8] =	wrdreg s22  }
0xe: {  	s31 =	simm.s32 $0xF880;
	s1 =	ssub.s32 $0x2, s1;
	[dreg:$0x9] =	wrdreg s23  }
0xf: {  	s21 =	sshrl.u32 s1, $0x1;
	s5 =	sshrl.u32 s4, $0x3;
	[dreg:$0xa] =	wrdreg s7  }
0x10: {  	s4 =	sshll.u32 s4, $0x7;
	s1 =	ssub.s32 s1, s21;
	[dreg:$0xb] =	wrdreg s24  }
0x11: {  	s21 =	simm.s32 $0xB080;
	s5 =	sadd.s32 s5, s6;
	[dreg:$0xc] =	wrdreg s8  }
0x12: {  	s3 =	sadd.s32 s3, s4;
	s4 =	sadd.s32 $0xF00, s6;
	[dreg:$0xd] =	wrdreg s25  }
0x13: {  	s7 =	smax.u32 s1, $0x1;
	s8 =	simm.s32 $0x2;
	[dreg:$0xe] =	wrdreg s26  }
0x14: {  	s18 =	simm.s32 $0x9880;
	s19 =	simm.s32 $0xA080;
	s20 =	simm.s32 $0xA880  }
0x15: {  	s22 =	simm.s32 $0xB880;
	s23 =	simm.s32 $0xC080;
	s24 =	simm.s32 $0xC880  }
0x16: {  	v2 =	vlaneseq.u32;
	s25 =	simm.s32 $0xD080;
	s26 =	simm.s32 $0xD880;
	s1 =	simm.s32 $0x1  }
0x17: {  	vm0 =	vmmov $0xffff;
	v1 =	vshrl.u32 v2, $0x3;
	s5 =	sadd.s32 $0xC00, s5;
	[dreg:$0x4] =	wrdreg s3;
	s3 =	sadd.s32 $0xE00, s6  }
0x18: {  	v0 =	vand.u32 $0x7, v2;
	v2 =	vor.u32 $0x8, v2;
	v1 =	vmul.u32 $0x8, v1;
	[dreg:$0x3] =	wrdreg s5;
	s5 =	sadd.s32 $0x1000, s6;
	s6 =	sadd.s32 $0x1100, s6  }
.LBB2_1:
0x19: {  	s0 =	rddreg [dreg:$0x3]  }
0x1a: {  	[tilespmem:s2], [sflag:$0x2] =	stream.linear.gather [hbm4b:s0+s2], $0x40, $0x38;
	[tilespmem:$0x10080] =	vst v63  }
0x1b: {  	_ =	swait.ge [sflag:s8], $0x40  }
0x1c: {  	[sflag:s8] =	ssyncset.done $0x0  }
0x1d: {  	s10 =	rddreg [dreg:$0x4];
	[sflag:s8] =	ssyncadd.s32 $0xFFFFFFC0  }
0x1e: {  	[tilespmem:s9], [sflag:$0x2] =	stream.linear.gather [hbm4b:s10+s2], $0x10000, $0x38;
	[tilespmem:$0x10080] =	vst v63  }
0x1f: {  	_ =	swait.ge [sflag:s8], $0x10000  }
0x20: {  	[sflag:s8] =	ssyncset.done $0x0  }
0x21: {  	[sflag:s8] =	ssyncadd.s32 $0xFFFF0000  }
0x22: {  	v3 =	vld [tilespmem:$0x0];
	_ =	sdelay $0x4  }
0x23: {  	v4 =	vshll.u32 v3, $0x3  }
0x24: {  	v3 =	vand.u32 $0x7, v3;
	v4 =	vand.u32 $0xFFFFFFC0, v4  }
0x25: {  	v3 =	vor.u32 v3, v4  }
0x26: {  	v4 =	vperm.xlane v3, v0;
	_ =	sdelay $0x1  }
0x27: {  	v4 =	vadd.s32 v1, v4;
	_ =	sdelay $0x4  }
0x28: {  	[hbm4b:s3+s2] =	stream.indirect_vreg.scatter [tilespmem:s9], [sflag:$0x1], $0x80, v4, vm0, $0xb8;
	[tilespmem:$0x10080] =	vst v63  }
0x29: {  	s0 =	rddreg [dreg:$0x5];
	v3 =	vperm.xlane v3, v2  }
0x2a: {  	[hbm4b:s4+s2] =	stream.indirect_vreg.scatter [tilespmem:s0], [sflag:$0x1], $0x80, v4, vm0, $0xb8;
	[tilespmem:$0x10080] =	vst v63  }
0x2b: {  	s10 =	rddreg [dreg:$0x6];
	v3 =	vadd.s32 v1, v3  }
0x2c: {  	[hbm4b:s5+s2] =	stream.indirect_vreg.scatter [tilespmem:s10], [sflag:$0x1], $0x80, v4, vm0, $0xb8;
	[tilespmem:$0x10080] =	vst v63  }
0x2d: {  	s0 =	rddreg [dreg:$0x7]  }
0x2e: {  	[hbm4b:s6+s2] =	stream.indirect_vreg.scatter [tilespmem:s0], [sflag:$0x1], $0x80, v4, vm0, $0xb8;
	[tilespmem:$0x10080] =	vst v63  }
0x2f: {  	s10 =	rddreg [dreg:$0x8]  }
0x30: {  	[hbm4b:s3+s2] =	stream.indirect_vreg.scatter [tilespmem:s10], [sflag:$0x1], $0x80, v3, vm0, $0xb8;
	[tilespmem:$0x10080] =	vst v63  }
0x31: {  	s0 =	rddreg [dreg:$0x9]  }
0x32: {  	[hbm4b:s4+s2] =	stream.indirect_vreg.scatter [tilespmem:s0], [sflag:$0x1], $0x80, v3, vm0, $0xb8;
	[tilespmem:$0x10080] =	vst v63  }
0x33: {  	s10 =	rddreg [dreg:$0xa]  }
0x34: {  	[hbm4b:s5+s2] =	stream.indirect_vreg.scatter [tilespmem:s10], [sflag:$0x1], $0x80, v3, vm0, $0xb8;
	[tilespmem:$0x10080] =	vst v63  }
0x35: {  	s0 =	rddreg [dreg:$0xb]  }
0x36: {  	[hbm4b:s6+s2] =	stream.indirect_vreg.scatter [tilespmem:s0], [sflag:$0x1], $0x80, v3, vm0, $0xb8;
	[tilespmem:$0x10080] =	vst v63  }
0x37: {  	v3 =	vld [tilespmem:$0x10];
	_ =	sdelay $0x4  }
0x38: {  	v61 =	vshll.u32 v3, $0x3  }
0x39: {  	v3 =	vand.u32 $0x7, v3;
	v4 =	vand.u32 $0xFFFFFFC0, v61  }
0x3a: {  	v3 =	vor.u32 v3, v4  }
0x3b: {  	v4 =	vperm.xlane v3, v0;
	_ =	sdelay $0x1  }
0x3c: {  	v4 =	vadd.s32 v1, v4;
	_ =	sdelay $0x3  }
0x3d: {  	s0 =	rddreg [dreg:$0xc]  }
0x3e: {  	[hbm4b:s3+s2] =	stream.indirect_vreg.scatter [tilespmem:s0], [sflag:$0x1], $0x80, v4, vm0, $0xb8;
	[tilespmem:$0x10080] =	vst v63  }
0x3f: {  	s10 =	rddreg [dreg:$0xd];
	v3 =	vperm.xlane v3, v2  }
0x40: {  	[hbm4b:s4+s2] =	stream.indirect_vreg.scatter [tilespmem:s10], [sflag:$0x1], $0x80, v4, vm0, $0xb8;
	[tilespmem:$0x10080] =	vst v63  }
0x41: {  	v3 =	vadd.s32 v1, v3;
	s0 =	rddreg [dreg:$0xe]  }
0x42: {  	[hbm4b:s5+s2] =	stream.indirect_vreg.scatter [tilespmem:s0], [sflag:$0x1], $0x80, v4, vm0, $0xb8;
	[tilespmem:$0x10080] =	vst v63  }
0x43: {  	s10 =	simm.s32 $0x5880  }
0x44: {  	[hbm4b:s6+s2] =	stream.indirect_vreg.scatter [tilespmem:s10], [sflag:$0x1], $0x80, v4, vm0, $0xb8;
	[tilespmem:$0x10080] =	vst v63  }
0x45: {  	_ = 	snop  }
0x46: {  	[hbm4b:s3+s2] =	stream.indirect_vreg.scatter [tilespmem:s11], [sflag:$0x1], $0x80, v3, vm0, $0xb8;
	[tilespmem:$0x10080] =	vst v63  }
0x47: {  	_ = 	snop  }
0x48: {  	[hbm4b:s4+s2] =	stream.indirect_vreg.scatter [tilespmem:s12], [sflag:$0x1], $0x80, v3, vm0, $0xb8;
	[tilespmem:$0x10080] =	vst v63  }
0x49: {  	_ = 	snop  }
0x4a: {  	[hbm4b:s5+s2] =	stream.indirect_vreg.scatter [tilespmem:s13], [sflag:$0x1], $0x80, v3, vm0, $0xb8;
	[tilespmem:$0x10080] =	vst v63  }
0x4b: {  	_ = 	snop  }
0x4c: {  	[hbm4b:s6+s2] =	stream.indirect_vreg.scatter [tilespmem:s14], [sflag:$0x1], $0x80, v3, vm0, $0xb8;
	[tilespmem:$0x10080] =	vst v63  }
0x4d: {  	v3 =	vld [tilespmem:$0x20];
	_ =	sdelay $0x4  }
0x4e: {  	v62 =	vshll.u32 v3, $0x3  }
0x4f: {  	v3 =	vand.u32 $0x7, v3;
	v4 =	vand.u32 $0xFFFFFFC0, v62  }
0x50: {  	v3 =	vor.u32 v3, v4  }
0x51: {  	v4 =	vperm.xlane v3, v0;
	_ =	sdelay $0x1  }
0x52: {  	v4 =	vadd.s32 v1, v4;
	_ =	sdelay $0x4  }
0x53: {  	[hbm4b:s3+s2] =	stream.indirect_vreg.scatter [tilespmem:s15], [sflag:$0x1], $0x80, v4, vm0, $0xb8;
	[tilespmem:$0x10080] =	vst v63  }
0x54: {  	v3 =	vperm.xlane v3, v2  }
0x55: {  	[hbm4b:s4+s2] =	stream.indirect_vreg.scatter [tilespmem:s16], [sflag:$0x1], $0x80, v4, vm0, $0xb8;
	[tilespmem:$0x10080] =	vst v63  }
0x56: {  	v3 =	vadd.s32 v1, v3  }
0x57: {  	[hbm4b:s5+s2] =	stream.indirect_vreg.scatter [tilespmem:s17], [sflag:$0x1], $0x80, v4, vm0, $0xb8;
	[tilespmem:$0x10080] =	vst v63  }
0x58: {  	_ = 	snop  }
0x59: {  	[hbm4b:s6+s2] =	stream.indirect_vreg.scatter [tilespmem:s18], [sflag:$0x1], $0x80, v4, vm0, $0xb8;
	[tilespmem:$0x10080] =	vst v63  }
0x5a: {  	_ = 	snop  }
0x5b: {  	[hbm4b:s3+s2] =	stream.indirect_vreg.scatter [tilespmem:s19], [sflag:$0x1], $0x80, v3, vm0, $0xb8;
	[tilespmem:$0x10080] =	vst v63  }
0x5c: {  	_ = 	snop  }
0x5d: {  	[hbm4b:s4+s2] =	stream.indirect_vreg.scatter [tilespmem:s20], [sflag:$0x1], $0x80, v3, vm0, $0xb8;
	[tilespmem:$0x10080] =	vst v63  }
0x5e: {  	_ = 	snop  }
0x5f: {  	[hbm4b:s5+s2] =	stream.indirect_vreg.scatter [tilespmem:s21], [sflag:$0x1], $0x80, v3, vm0, $0xb8;
	[tilespmem:$0x10080] =	vst v63  }
0x60: {  	_ = 	snop  }
0x61: {  	[hbm4b:s6+s2] =	stream.indirect_vreg.scatter [tilespmem:s22], [sflag:$0x1], $0x80, v3, vm0, $0xb8;
	[tilespmem:$0x10080] =	vst v63  }
0x62: {  	v3 =	vld [tilespmem:$0x30];
	_ =	sdelay $0x4  }
0x63: {  	v63 =	vshll.u32 v3, $0x3  }
0x64: {  	v3 =	vand.u32 $0x7, v3;
	v4 =	vand.u32 $0xFFFFFFC0, v63  }
0x65: {  	v3 =	vor.u32 v3, v4  }
0x66: {  	v4 =	vperm.xlane v3, v0;
	_ =	sdelay $0x1  }
0x67: {  	v4 =	vadd.s32 v1, v4;
	_ =	sdelay $0x4  }
0x68: {  	[hbm4b:s3+s2] =	stream.indirect_vreg.scatter [tilespmem:s23], [sflag:$0x1], $0x80, v4, vm0, $0xb8;
	[tilespmem:$0x10080] =	vst v63  }
0x69: {  	v3 =	vperm.xlane v3, v2  }
0x6a: {  	[hbm4b:s4+s2] =	stream.indirect_vreg.scatter [tilespmem:s24], [sflag:$0x1], $0x80, v4, vm0, $0xb8;
	[tilespmem:$0x10080] =	vst v63  }
0x6b: {  	v3 =	vadd.s32 v1, v3  }
0x6c: {  	[hbm4b:s5+s2] =	stream.indirect_vreg.scatter [tilespmem:s25], [sflag:$0x1], $0x80, v4, vm0, $0xb8;
	[tilespmem:$0x10080] =	vst v63  }
0x6d: {  	_ = 	snop  }
0x6e: {  	[hbm4b:s6+s2] =	stream.indirect_vreg.scatter [tilespmem:s26], [sflag:$0x1], $0x80, v4, vm0, $0xb8;
	[tilespmem:$0x10080] =	vst v63  }
0x6f: {  	_ = 	snop  }
0x70: {  	[hbm4b:s3+s2] =	stream.indirect_vreg.scatter [tilespmem:s28], [sflag:$0x1], $0x80, v3, vm0, $0xb8;
	[tilespmem:$0x10080] =	vst v63  }
0x71: {  	_ = 	snop  }
0x72: {  	[hbm4b:s4+s2] =	stream.indirect_vreg.scatter [tilespmem:s29], [sflag:$0x1], $0x80, v3, vm0, $0xb8;
	[tilespmem:$0x10080] =	vst v63  }
0x73: {  	p0 =	sne.s32 s7, $0x1  }
0x74: {  	[hbm4b:s5+s2] =	stream.indirect_vreg.scatter [tilespmem:s30], [sflag:$0x1], $0x80, v3, vm0, $0xb8;
	[tilespmem:$0x10080] =	vst v63  }
.Ltmp0:
0x75: {  	_ = 	snop;
	(pc) =	sbr.rel @p0 .LBB2_1-.Ltmp0, $4  }
0x76: {  	[hbm4b:s6+s2] =	stream.indirect_vreg.scatter [tilespmem:s31], [sflag:$0x1], $0x80, v3, vm0, $0xb8;
	[tilespmem:$0x10080] =	vst v63  }
0x77: {  	_ =	swait.ge [sflag:s1], $0x10000  }
0x78: {  	[sflag:s1] =	ssyncset.done $0x0  }
0x79: {  	s7 =	sadd.s32 $0xFFFFFFFF, s7;
	[sflag:s1] =	ssyncadd.s32 $0xFFFF0000  }
0x7a: {  	_ =	sfence.sel $0x180000  }
0x7b: {  	[bflag:$0x0] =	sbarrier.arrive $0xFFFF  }
0x7c: {  	_ =	strace $0x90000047  }
0x7d: {  	s0 =	stileid.u32;
	[bflag:$0x2] =	sbarrier.arrive $0xFFFF  }
0x7e: {  	p0 =	sne.s32 s0, $0x0;
	s0 =	rddreg [dreg:$0x2]  }
0x7f: {  	s0 =	sadd.s32 @!p0 $0x100000, s0  }
0x80: {  	[sflag:s0] =	ssyncadd.tile.s32 @!p0 $0x1;
	_ =	shalt  }
.Lfunc_end2:
_tile_overlayer_lowered:
.L_overlay_start_2:
0x81: {  	(tag) =	ssettag $0x2  }
0x82: {  	s0 =	rddreg [dreg:$0x0];
	s2 =	stileid.u32  }
0x83: {  	s1 =	rddreg [dreg:$0x1];
	p0 =	sne.s32 s2, $0x0  }
0x84: {  	s3 =	rddreg [dreg:$0x2];
	[bflag:$0x3] =	sbarrier.arrive $0xFFFF;
	s2 =	simm.s32 @!p0 $0x1C02  }
0x85: {  	[timem:s3], [sflag:s2] =	dma.local @!p0 [hbm:s0], s1  }
0x86: {  	s0 =	simm.s32 @!p0 $0x2  }
0x87: {  	_ =	swait.ge @!p0 [sflag:s0], s1  }
0x88: {  	s1 =	ssub.s32 @!p0 $0x0, s1;
	[sflag:s0] =	ssyncset.done @!p0 $0x0  }
0x89: {  	[sflag:s0] =	ssyncadd.s32 @!p0 s1  }
0x8a: {  	[bflag:$0x3] =	sbarrier.arrive $0xFFFF  }
0x8b: {  	_ =	shalt  }

// kernel: kernel.9.cloned.1.call-start
scs
__scs_entry_jumppad:
0x0: {  	(pc) =	sbr.rel $0x88, $3  }
0x1: {  	(tag) =	ssettag $0x0;
	lr =	simm.s32 $0x1  }
0x2: {  	[smem:$0x3F9C] =	sst lr;
	_ =	strace $0xD0000000  }
0x3: {  	_ = 	snop  }
0x4: {  	_ = 	snop  }
0x5: {  	_ = 	snop  }
0x6: {  	_ = 	snop  }
0x7: {  	_ = 	snop  }
__scs_overlays_trampoline_lowered:
0x8: {  	[smem:$0x3FAB] =	sst s0  }
0x9: {  	[smem:$0x3FAC] =	sst s1  }
0xa: {  	[smem:$0x3FAD] =	sst s2  }
0xb: {  	[smem:$0x3FAE] =	sst s3  }
0xc: {  	[smem:$0x3FAF] =	sst s4  }
0xd: {  	[smem:$0x3FB0] =	sst s5  }
0xe: {  	[smem:$0x3FB1] =	sst s6  }
0xf: {  	[smem:$0x3FB2] =	sst s7  }
0x10: {  	[smem:$0x3FB3] =	sst s8  }
0x11: {  	[smem:$0x3FB4] =	sst s9;
	s0 =	simm.s32 @!p0 $0x0  }
0x12: {  	s1 =	sld [smem:$0x3F9A];
	s0 =	simm.s32 @p0 $0x1  }
0x13: {  	[smem:$0x3FB5] =	sst s0;
	s0 =	simm.s32 @!p1 $0x0  }
0x14: {  	s2 =	sld [smem:$0x3F99];
	s0 =	simm.s32 @p1 $0x1  }
0x15: {  	[smem:$0x3FB6] =	sst s0;
	s0 =	simm.s32 @!p2 $0x0  }
0x16: {  	s3 =	sld [smem:$0x3FDB];
	s0 =	simm.s32 @p2 $0x1  }
0x17: {  	s4 =	simm.s32 $0x1BF5;
	[smem:$0x3FB8] =	sst s0  }
0x18: {  	s0 =	sld [smem:$0x3F9B];
	_ =	swait.ge [sflag:s4], $0x0  }
0x19: {  	s7 =	sld [smem:$0x3F9C]  }
0x1a: {  	s8 =	sadd.s32 $0xFFFFE003, lr  }
0x1b: {  	s9 =	sadd.s32 $0xFFFFFEF7, lr;
	s5 =	simm.s32 $0xFFFFFFFF;
	p2 =	slt.u32 s8, $0xFFFFF086  }
0x1c: {  	p1 =	slt.u32 s9, $0xF7A;
	s5 =	simm.s32 @!p2 $0x0  }
0x1d: {  	s5 =	simm.s32 @p1 $0x1;
	p0 =	seq.s32 s7, s2  }
0x1e: {  	s7 =	smul.u32 @!p0 $0xF7A, s2;
	p2 =	seq.s32 @!p0 s5, $0x0  }
0x1f: {  	s9 =	smul.u32 $0xF7A, s1;
	s8 =	simm.s32 @!p0 $0x1BF5;
	p2 =	por !p2, p0  }
0x20: {  	[sflag:s8] =	ssyncset.s32 @!p0 $0xFFFFF086;
	s6 =	sadd.s32 @!p0 s3, s7;
	s7 =	simm.s32 @!p0 $0x108  }
0x21: {  	s3 =	sadd.s32 s3, s9;
	s6 =	sadd.s32 @!p0 $0x88, s6;
	s7 =	simm.s32 @p2 $0x1082  }
0x22: {  	[simem:s7], [sflag:s8] =	dma.local @!p0 [hbm:s6], $0xF7A  }
0x23: {  	s9 =	sor.u32 $0xD0000000, s2;
	s6 =	simm.s32 $0x108;
	_ =	swait.ge @!p0 [sflag:s8], $0x0  }
0x24: {  	s3 =	sadd.s32 $0x88, s3;
	s6 =	simm.s32 @!p1 $0x1082;
	[sflag:s4] =	ssyncset.s32 $0xFFFFF086  }
0x25: {  	[simem:s6], [sflag:s4] =	dma.local [hbm:s3], $0xF7A  }
0x26: {  	[smem:$0x3F9C] =	sst s1;
	(tag) =	ssettag s2;
	_ =	strace s9  }
0x27: {  	s1 =	sld [smem:$0x3FAC]  }
0x28: {  	s2 =	sld [smem:$0x3FAD]  }
0x29: {  	s4 =	sld [smem:$0x3FAF]  }
0x2a: {  	p0 =	seq.s32 s5, $0x0;
	s5 =	sld [smem:$0x3FB0]  }
0x2b: {  	s6 =	sld [smem:$0x3FB1]  }
0x2c: {  	s7 =	sld [smem:$0x3FB2]  }
0x2d: {  	s3 =	simm.s32 $0x108;
	s8 =	sld [smem:$0x3FB3]  }
0x2e: {  	s3 =	simm.s32 @!p0 $0x1082;
	s9 =	sld [smem:$0x3FB4]  }
0x2f: {  	lr =	sadd.s32 s0, s3;
	s0 =	sld [smem:$0x3FAB]  }
0x30: {  	s3 =	sld [smem:$0x3FAE]  }
0x31: {  	[smem:$0x3FB7] =	sst s10  }
0x32: {  	s10 =	sld [smem:$0x3FB5];
	_ =	sdelay $0x3  }
0x33: {  	p0 =	seq.s32 s10, $0x1;
	s10 =	sld [smem:$0x3FB7];
	_ =	sdelay $0x3  }
0x34: {  	[smem:$0x3FB7] =	sst s10  }
0x35: {  	s10 =	sld [smem:$0x3FB6];
	_ =	sdelay $0x3  }
0x36: {  	p1 =	seq.s32 s10, $0x1;
	s10 =	sld [smem:$0x3FB7];
	_ =	sdelay $0x3  }
0x37: {  	[smem:$0x3FB7] =	sst s10  }
0x38: {  	s10 =	sld [smem:$0x3FB8]  }
0x39: {  	_ = 	snop;
	(pc) =	sbr.ind lr, $3  }
0x3a: {  	_ = 	snop  }
0x3b: {  	_ = 	snop  }
0x3c: {  	p2 =	seq.s32 s10, $0x1;
	s10 =	sld [smem:$0x3FB7]  }
0x3d: {  	_ =	shalt  }
0x3e: {  	_ =	shalt  }
0x3f: {  	_ =	shalt  }
0x40: {  	_ =	shalt  }
0x41: {  	_ =	shalt  }
0x42: {  	_ =	shalt  }
0x43: {  	_ =	shalt  }
0x44: {  	_ =	shalt  }
0x45: {  	_ =	shalt  }
0x46: {  	_ =	shalt  }
0x47: {  	_ =	shalt  }
0x48: {  	_ =	shalt  }
0x49: {  	_ =	shalt  }
0x4a: {  	_ =	shalt  }
0x4b: {  	_ =	shalt  }
0x4c: {  	_ =	shalt  }
0x4d: {  	_ =	shalt  }
0x4e: {  	_ =	shalt  }
0x4f: {  	_ =	shalt  }
0x50: {  	_ =	shalt  }
0x51: {  	_ =	shalt  }
0x52: {  	_ =	shalt  }
0x53: {  	_ =	shalt  }
0x54: {  	_ =	shalt  }
0x55: {  	_ =	shalt  }
0x56: {  	_ =	shalt  }
0x57: {  	_ =	shalt  }
0x58: {  	_ =	shalt  }
0x59: {  	_ =	shalt  }
0x5a: {  	_ =	shalt  }
0x5b: {  	_ =	shalt  }
0x5c: {  	_ =	shalt  }
0x5d: {  	_ =	shalt  }
0x5e: {  	_ =	shalt  }
0x5f: {  	_ =	shalt  }
0x60: {  	_ =	shalt  }
0x61: {  	_ =	shalt  }
0x62: {  	_ =	shalt  }
0x63: {  	_ =	shalt  }
0x64: {  	_ =	shalt  }
0x65: {  	_ =	shalt  }
0x66: {  	_ =	shalt  }
0x67: {  	_ =	shalt  }
0x68: {  	_ =	shalt  }
0x69: {  	_ =	shalt  }
0x6a: {  	_ =	shalt  }
0x6b: {  	_ =	shalt  }
0x6c: {  	_ =	shalt  }
0x6d: {  	_ =	shalt  }
0x6e: {  	_ =	shalt  }
0x6f: {  	_ =	shalt  }
0x70: {  	_ =	shalt  }
0x71: {  	_ =	shalt  }
0x72: {  	_ =	shalt  }
0x73: {  	_ =	shalt  }
0x74: {  	_ =	shalt  }
0x75: {  	_ =	shalt  }
0x76: {  	_ =	shalt  }
0x77: {  	_ =	shalt  }
0x78: {  	_ =	shalt  }
0x79: {  	_ =	shalt  }
0x7a: {  	_ =	shalt  }
0x7b: {  	_ =	shalt  }
0x7c: {  	_ =	shalt  }
0x7d: {  	_ =	shalt  }
0x7e: {  	_ =	shalt  }
0x7f: {  	_ =	shalt  }
0x80: {  	_ =	shalt  }
0x81: {  	_ =	shalt  }
0x82: {  	_ =	shalt  }
0x83: {  	_ =	shalt  }
0x84: {  	_ =	shalt  }
0x85: {  	_ =	shalt  }
0x86: {  	_ =	shalt  }
0x87: {  	_ =	shalt  }
.Lfunc_end0:
.L_simem_size_0:
called_computation.1_lowered:
.L_overlay_start_0:
0x88: {  	s2 =	sld [smem:$0x3FD9]  }
0x89: {  	s3 =	sld [smem:$0x3FFE];
	_ =	sdelay $0x1  }
0x8a: {  	s1 =	srdreg.scid  }
0x8b: {  	s0 =	sand.u32 $0x1, s1  }
0x8c: {  	s17 =	sshll.u32 s0, $0xA;
	s2 =	sadd.s32 s3, s2  }
0x8d: {  	s2 =	sadd.s32 s2, s17  }
0x8e: {  	[smem:$0x3FC3] =	sst s2  }
0x8f: {  	_ = 	snop  }
0x90: {  	s2 =	sld [smem:$0x3FD0];
	(tm) =	ssettm $0x1  }
0x91: {  	s18 =	sld [smem:$0x3FFB];
	_ =	sdelay $0x3  }
0x92: {  	_ =	strace s18  }
0x93: {  	s3 =	sld [smem:$0x3FFC];
	_ =	sdelay $0x3  }
0x94: {  	_ =	strace s3  }
0x95: {  	s3 =	sld [smem:$0x3FFD];
	_ =	sdelay $0x3  }
0x96: {  	_ =	strace s3  }
0x97: {  	_ =	strace $0x8FFFFFFF  }
0x98: {  	s19 =	sld [smem:$0x3FDB];
	_ =	sdelay $0x1  }
0x99: {  	s4 =	simm.s32 $_scs_section_size  }
0x9a: {  	s5 =	simm.s32 $_size__tile_overlayer_lowered;
	s6 =	simm.s32 $_tile_overlayer_lowered  }
0x9b: {  	s22 =	simm.s32 $0x1BFF;
	s21 =	sshll.u32 s6, $0x1;
	s3 =	sadd.s32 s4, s19  }
0x9c: {  	s7 =	simm.s32 $0x0;
	s20 =	sshll.u32 s5, $0x1;
	s5 =	sadd.s32 s21, s3  }
0x9d: {  	[timem:s7], [sflag:s22] =	dma.local [hbm:s5], s20  }
0x9e: {  	_ =	swait.ge [sflag:s22], s20  }
0x9f: {  	s4 =	ssub.s32 $0x0, s20;
	[sflag:s22] =	ssyncset.done $0x0  }
0xa0: {  	[sflag:s22] =	ssyncadd.s32 s4;
	_ =	sdelay $0x1  }
0xa1: {  	s23 =	simm.s32 $0x1B8B  }
0xa2: {  	_ =	swait.ge [sflag:s23], $0x1  }
0xa3: {  	[sflag:s23] =	ssyncset.done $0x0  }
0xa4: {  	s25 =	simm.s32 $0x1B8E;
	s24 =	sld [smem:$0x3FFE];
	[sflag:s23] =	ssyncadd.s32 $0xFFFFFFFF  }
0xa5: {  	s26 =	simm.s32 $execute0_lowered;
	[smem:$0x3FD2] =	sst s25  }
0xa6: {  	s5 =	sshll.u32 s26, $0x1;
	_ =	strace $0x80000049;
	[dreg:$0x1] =	wrdreg $0xFFFFFFFF  }
0xa7: {  	s28 =	simm.s32 $_size_execute0_lowered;
	s3 =	sadd.s32 s3, s5;
	[dreg:$0x0] =	wrdreg $0x0  }
0xa8: {  	s5 =	sshll.u32 s28, $0x1;
	[dreg:$0x2] =	wrdreg s3  }
0xa9: {  	[dreg:$0x3] =	wrdreg s5  }
0xaa: {  	[dreg:$0x4] =	wrdreg $0xC0  }
0xab: {  	_ =	task [dreg:s7], $0x5FFFF  }
0xac: {  	[dreg:$0x1] =	wrdreg $0xFFFFFFFF  }
0xad: {  	[dreg:$0x0] =	wrdreg $0x60  }
0xae: {  	[dreg:$0x2] =	wrdreg s24  }
0xaf: {  	[dreg:$0x3] =	wrdreg s2  }
0xb0: {  	[dreg:$0x4] =	wrdreg $0x9  }
0xb1: {  	_ =	task.clear_ibuf [dreg:s7], $0x5FFFF;
	_ =	strace $0x90000049  }
0xb2: {  	s29 =	simm.s32 $0x9;
	_ =	strace $0x8000004B  }
0xb3: {  	_ =	swait.ge [sflag:s29], $0x1  }
0xb4: {  	[sflag:s29] =	ssyncadd.s32 $0xFFFFFFFF  }
0xb5: {  	_ =	strace $0x9000004B  }
0xb6: {  	_ =	sfence  }
0xb7: {  	s30 =	sld [smem:$0x0];
	_ =	sdelay $0x2  }
0xb8: {  	s31 =	sshll.u32 s1, $0xD;
	s1 =	sshrl.u32 s1, $0x2  }
0xb9: {  	s3 =	sand.u32 $0x4000, s31;
	s1 =	sadd.s32 s1, s30  }
0xba: {  	s0 =	sor.u32 s3, s0;
	s1 =	sshll.u32 s1, $0x11  }
0xbb: {  	s0 =	sor.u32 s1, s0  }
0xbc: {  	s0 =	sadd.s32 $0x8F2B, s0  }
0xbd: {  	[sflag:s0] =	ssyncadd.remote.s32 $0x1  }
0xbe: {  	_ =	sfence.sel $0xFFFF  }
0xbf: {  	[dreg:$0x0] =	wrdreg $0xFFFFFFFF;
	(pc) =	sbr.abs _section_cstart, $3  }
0xc0: {  	[dreg:$0x1] =	wrdreg $0xFFFFFFFF  }
0xc1: {  	_ =	task.clear_ibuf [dreg:s7], $0x2FFFF;
	_ =	strace $0x9FFFFFFF  }
0xc2: {  	(tm) =	ssettm $0x7FFFFFFF  }
0xc3: {  	_ =	shalt  }
tec
execute0_lowered:
.L_overlay_start_1:
0x0: {  	(tag) =	ssettag $0x1  }
0x1: {  	s1 =	srdreg.scid  }
0x2: {  	s0 =	stileid.u32;
	s6 =	rddreg [dreg:$0x0]  }
0x3: {  	s4 =	rddreg [dreg:$0x1];
	s18 =	simm.s32 $0x880;
	s19 =	simm.s32 $0x1080  }
0x4: {  	s20 =	simm.s32 $0x1880;
	s22 =	simm.s32 $0x2080;
	s23 =	simm.s32 $0x2880  }
0x5: {  	s7 =	simm.s32 $0x3080;
	s24 =	simm.s32 $0x3880;
	s8 =	simm.s32 $0x4080  }
0x6: {  	s25 =	simm.s32 $0x4880;
	s26 =	simm.s32 $0x5080;
	s1 =	sand.u32 $0x1, s1  }
0x7: {  	s9 =	simm.s32 $0x80;
	s2 =	sshll.u32 s0, $0x7;
	s3 =	sshll.u32 s1, $0x6  }
0x8: {  	s11 =	simm.s32 $0x6080;
	s3 =	sor.u32 s3, s2;
	s2 =	simm.s32 $0x0  }
0x9: {  	s12 =	simm.s32 $0x6880;
	s13 =	simm.s32 $0x7080;
	[smem:$0x7FF] =	sst s2  }
0xa: {  	s14 =	simm.s32 $0x7880;
	_ =	strace $0x8000004A;
	[dreg:$0x5] =	wrdreg s18  }
0xb: {  	s15 =	simm.s32 $0x8080;
	s16 =	simm.s32 $0x8880;
	[dreg:$0x6] =	wrdreg s19  }
0xc: {  	s17 =	simm.s32 $0x9080;
	s28 =	simm.s32 $0xE080;
	[dreg:$0x7] =	wrdreg s20  }
0xd: {  	s29 =	simm.s32 $0xE880;
	s30 =	simm.s32 $0xF080;
	[dreg:$0x8] =	wrdreg s22  }
0xe: {  	s31 =	simm.s32 $0xF880;
	s1 =	ssub.s32 $0x2, s1;
	[dreg:$0x9] =	wrdreg s23  }
0xf: {  	s21 =	sshrl.u32 s1, $0x1;
	s5 =	sshrl.u32 s3, $0x3;
	[dreg:$0xa] =	wrdreg s7  }
0x10: {  	s3 =	sshll.u32 s3, $0x7;
	s1 =	ssub.s32 s1, s21;
	[dreg:$0xb] =	wrdreg s24  }
0x11: {  	s21 =	simm.s32 $0xB080;
	s5 =	sadd.s32 s5, s6;
	[dreg:$0xc] =	wrdreg s8  }
0x12: {  	s3 =	sadd.s32 s4, s3;
	s4 =	sadd.s32 $0xF00, s6;
	[dreg:$0xd] =	wrdreg s25  }
0x13: {  	s7 =	smax.u32 s1, $0x1;
	s8 =	simm.s32 $0x2;
	[dreg:$0xe] =	wrdreg s26  }
0x14: {  	s18 =	simm.s32 $0x9880;
	s19 =	simm.s32 $0xA080;
	s20 =	simm.s32 $0xA880  }
0x15: {  	s22 =	simm.s32 $0xB880;
	s23 =	simm.s32 $0xC080;
	s24 =	simm.s32 $0xC880  }
0x16: {  	v2 =	vlaneseq.u32;
	s25 =	simm.s32 $0xD080;
	s26 =	simm.s32 $0xD880;
	s1 =	simm.s32 $0x1  }
0x17: {  	vm0 =	vmmov $0xffff;
	v1 =	vshrl.u32 v2, $0x3;
	s5 =	sadd.s32 $0xC00, s5;
	[dreg:$0x4] =	wrdreg s3;
	s3 =	sadd.s32 $0xE00, s6  }
0x18: {  	v0 =	vand.u32 $0x7, v2;
	v2 =	vor.u32 $0x8, v2;
	v1 =	vmul.u32 $0x8, v1;
	[dreg:$0x3] =	wrdreg s5;
	s5 =	sadd.s32 $0x1000, s6;
	s6 =	sadd.s32 $0x1100, s6  }
.LBB2_1:
0x19: {  	s0 =	rddreg [dreg:$0x3]  }
0x1a: {  	[tilespmem:s2], [sflag:$0x2] =	stream.linear.gather [hbm4b:s0+s2], $0x40, $0x38;
	[tilespmem:$0x10080] =	vst v63  }
0x1b: {  	_ =	swait.ge [sflag:s8], $0x40  }
0x1c: {  	[sflag:s8] =	ssyncset.done $0x0  }
0x1d: {  	[sflag:s8] =	ssyncadd.s32 $0xFFFFFFC0  }
0x1e: {  	v3 =	vld [tilespmem:$0x0];
	_ =	sdelay $0x4  }
0x1f: {  	v4 =	vshll.u32 v3, $0x3  }
0x20: {  	v3 =	vand.u32 $0x7, v3;
	v4 =	vand.u32 $0xFFFFFFC0, v4  }
0x21: {  	v3 =	vor.u32 v3, v4  }
0x22: {  	v4 =	vperm.xlane v3, v0;
	_ =	sdelay $0x1  }
0x23: {  	v4 =	vadd.s32 v1, v4;
	_ =	sdelay $0x4  }
0x24: {  	[tilespmem:s9], [sflag:$0x1] =	stream.indirect_vreg.gather [hbm4b:s3+s2], $0x80, v4, vm0, $0xb8;
	[tilespmem:$0x10080] =	vst v63  }
0x25: {  	s0 =	rddreg [dreg:$0x5];
	v3 =	vperm.xlane v3, v2  }
0x26: {  	[tilespmem:s0], [sflag:$0x1] =	stream.indirect_vreg.gather [hbm4b:s4+s2], $0x80, v4, vm0, $0xb8;
	[tilespmem:$0x10080] =	vst v63  }
0x27: {  	s10 =	rddreg [dreg:$0x6];
	v3 =	vadd.s32 v1, v3  }
0x28: {  	[tilespmem:s10], [sflag:$0x1] =	stream.indirect_vreg.gather [hbm4b:s5+s2], $0x80, v4, vm0, $0xb8;
	[tilespmem:$0x10080] =	vst v63  }
0x29: {  	s0 =	rddreg [dreg:$0x7]  }
0x2a: {  	[tilespmem:s0], [sflag:$0x1] =	stream.indirect_vreg.gather [hbm4b:s6+s2], $0x80, v4, vm0, $0xb8;
	[tilespmem:$0x10080] =	vst v63  }
0x2b: {  	s10 =	rddreg [dreg:$0x8]  }
0x2c: {  	[tilespmem:s10], [sflag:$0x1] =	stream.indirect_vreg.gather [hbm4b:s3+s2], $0x80, v3, vm0, $0xb8;
	[tilespmem:$0x10080] =	vst v63  }
0x2d: {  	s0 =	rddreg [dreg:$0x9]  }
0x2e: {  	[tilespmem:s0], [sflag:$0x1] =	stream.indirect_vreg.gather [hbm4b:s4+s2], $0x80, v3, vm0, $0xb8;
	[tilespmem:$0x10080] =	vst v63  }
0x2f: {  	s10 =	rddreg [dreg:$0xa]  }
0x30: {  	[tilespmem:s10], [sflag:$0x1] =	stream.indirect_vreg.gather [hbm4b:s5+s2], $0x80, v3, vm0, $0xb8;
	[tilespmem:$0x10080] =	vst v63  }
0x31: {  	s0 =	rddreg [dreg:$0xb]  }
0x32: {  	[tilespmem:s0], [sflag:$0x1] =	stream.indirect_vreg.gather [hbm4b:s6+s2], $0x80, v3, vm0, $0xb8;
	[tilespmem:$0x10080] =	vst v63  }
0x33: {  	v3 =	vld [tilespmem:$0x10];
	_ =	sdelay $0x4  }
0x34: {  	v61 =	vshll.u32 v3, $0x3  }
0x35: {  	v3 =	vand.u32 $0x7, v3;
	v4 =	vand.u32 $0xFFFFFFC0, v61  }
0x36: {  	v3 =	vor.u32 v3, v4  }
0x37: {  	v4 =	vperm.xlane v3, v0;
	_ =	sdelay $0x1  }
0x38: {  	v4 =	vadd.s32 v1, v4;
	_ =	sdelay $0x3  }
0x39: {  	s0 =	rddreg [dreg:$0xc]  }
0x3a: {  	[tilespmem:s0], [sflag:$0x1] =	stream.indirect_vreg.gather [hbm4b:s3+s2], $0x80, v4, vm0, $0xb8;
	[tilespmem:$0x10080] =	vst v63  }
0x3b: {  	s10 =	rddreg [dreg:$0xd];
	v3 =	vperm.xlane v3, v2  }
0x3c: {  	[tilespmem:s10], [sflag:$0x1] =	stream.indirect_vreg.gather [hbm4b:s4+s2], $0x80, v4, vm0, $0xb8;
	[tilespmem:$0x10080] =	vst v63  }
0x3d: {  	v3 =	vadd.s32 v1, v3;
	s0 =	rddreg [dreg:$0xe]  }
0x3e: {  	[tilespmem:s0], [sflag:$0x1] =	stream.indirect_vreg.gather [hbm4b:s5+s2], $0x80, v4, vm0, $0xb8;
	[tilespmem:$0x10080] =	vst v63  }
0x3f: {  	s10 =	simm.s32 $0x5880  }
0x40: {  	[tilespmem:s10], [sflag:$0x1] =	stream.indirect_vreg.gather [hbm4b:s6+s2], $0x80, v4, vm0, $0xb8;
	[tilespmem:$0x10080] =	vst v63  }
0x41: {  	_ = 	snop  }
0x42: {  	[tilespmem:s11], [sflag:$0x1] =	stream.indirect_vreg.gather [hbm4b:s3+s2], $0x80, v3, vm0, $0xb8;
	[tilespmem:$0x10080] =	vst v63  }
0x43: {  	_ = 	snop  }
0x44: {  	[tilespmem:s12], [sflag:$0x1] =	stream.indirect_vreg.gather [hbm4b:s4+s2], $0x80, v3, vm0, $0xb8;
	[tilespmem:$0x10080] =	vst v63  }
0x45: {  	_ = 	snop  }
0x46: {  	[tilespmem:s13], [sflag:$0x1] =	stream.indirect_vreg.gather [hbm4b:s5+s2], $0x80, v3, vm0, $0xb8;
	[tilespmem:$0x10080] =	vst v63  }
0x47: {  	_ = 	snop  }
0x48: {  	[tilespmem:s14], [sflag:$0x1] =	stream.indirect_vreg.gather [hbm4b:s6+s2], $0x80, v3, vm0, $0xb8;
	[tilespmem:$0x10080] =	vst v63  }
0x49: {  	v3 =	vld [tilespmem:$0x20];
	_ =	sdelay $0x4  }
0x4a: {  	v62 =	vshll.u32 v3, $0x3  }
0x4b: {  	v3 =	vand.u32 $0x7, v3;
	v4 =	vand.u32 $0xFFFFFFC0, v62  }
0x4c: {  	v3 =	vor.u32 v3, v4  }
0x4d: {  	v4 =	vperm.xlane v3, v0;
	_ =	sdelay $0x1  }
0x4e: {  	v4 =	vadd.s32 v1, v4;
	_ =	sdelay $0x4  }
0x4f: {  	[tilespmem:s15], [sflag:$0x1] =	stream.indirect_vreg.gather [hbm4b:s3+s2], $0x80, v4, vm0, $0xb8;
	[tilespmem:$0x10080] =	vst v63  }
0x50: {  	v3 =	vperm.xlane v3, v2  }
0x51: {  	[tilespmem:s16], [sflag:$0x1] =	stream.indirect_vreg.gather [hbm4b:s4+s2], $0x80, v4, vm0, $0xb8;
	[tilespmem:$0x10080] =	vst v63  }
0x52: {  	v3 =	vadd.s32 v1, v3  }
0x53: {  	[tilespmem:s17], [sflag:$0x1] =	stream.indirect_vreg.gather [hbm4b:s5+s2], $0x80, v4, vm0, $0xb8;
	[tilespmem:$0x10080] =	vst v63  }
0x54: {  	_ = 	snop  }
0x55: {  	[tilespmem:s18], [sflag:$0x1] =	stream.indirect_vreg.gather [hbm4b:s6+s2], $0x80, v4, vm0, $0xb8;
	[tilespmem:$0x10080] =	vst v63  }
0x56: {  	_ = 	snop  }
0x57: {  	[tilespmem:s19], [sflag:$0x1] =	stream.indirect_vreg.gather [hbm4b:s3+s2], $0x80, v3, vm0, $0xb8;
	[tilespmem:$0x10080] =	vst v63  }
0x58: {  	_ = 	snop  }
0x59: {  	[tilespmem:s20], [sflag:$0x1] =	stream.indirect_vreg.gather [hbm4b:s4+s2], $0x80, v3, vm0, $0xb8;
	[tilespmem:$0x10080] =	vst v63  }
0x5a: {  	_ = 	snop  }
0x5b: {  	[tilespmem:s21], [sflag:$0x1] =	stream.indirect_vreg.gather [hbm4b:s5+s2], $0x80, v3, vm0, $0xb8;
	[tilespmem:$0x10080] =	vst v63  }
0x5c: {  	_ = 	snop  }
0x5d: {  	[tilespmem:s22], [sflag:$0x1] =	stream.indirect_vreg.gather [hbm4b:s6+s2], $0x80, v3, vm0, $0xb8;
	[tilespmem:$0x10080] =	vst v63  }
0x5e: {  	v3 =	vld [tilespmem:$0x30];
	_ =	sdelay $0x4  }
0x5f: {  	v63 =	vshll.u32 v3, $0x3  }
0x60: {  	v3 =	vand.u32 $0x7, v3;
	v4 =	vand.u32 $0xFFFFFFC0, v63  }
0x61: {  	v3 =	vor.u32 v3, v4  }
0x62: {  	v4 =	vperm.xlane v3, v0;
	_ =	sdelay $0x1  }
0x63: {  	v4 =	vadd.s32 v1, v4;
	_ =	sdelay $0x4  }
0x64: {  	[tilespmem:s23], [sflag:$0x1] =	stream.indirect_vreg.gather [hbm4b:s3+s2], $0x80, v4, vm0, $0xb8;
	[tilespmem:$0x10080] =	vst v63  }
0x65: {  	v3 =	vperm.xlane v3, v2  }
0x66: {  	[tilespmem:s24], [sflag:$0x1] =	stream.indirect_vreg.gather [hbm4b:s4+s2], $0x80, v4, vm0, $0xb8;
	[tilespmem:$0x10080] =	vst v63  }
0x67: {  	v3 =	vadd.s32 v1, v3  }
0x68: {  	[tilespmem:s25], [sflag:$0x1] =	stream.indirect_vreg.gather [hbm4b:s5+s2], $0x80, v4, vm0, $0xb8;
	[tilespmem:$0x10080] =	vst v63  }
0x69: {  	_ = 	snop  }
0x6a: {  	[tilespmem:s26], [sflag:$0x1] =	stream.indirect_vreg.gather [hbm4b:s6+s2], $0x80, v4, vm0, $0xb8;
	[tilespmem:$0x10080] =	vst v63  }
0x6b: {  	_ = 	snop  }
0x6c: {  	[tilespmem:s28], [sflag:$0x1] =	stream.indirect_vreg.gather [hbm4b:s3+s2], $0x80, v3, vm0, $0xb8;
	[tilespmem:$0x10080] =	vst v63  }
0x6d: {  	_ = 	snop  }
0x6e: {  	[tilespmem:s29], [sflag:$0x1] =	stream.indirect_vreg.gather [hbm4b:s4+s2], $0x80, v3, vm0, $0xb8;
	[tilespmem:$0x10080] =	vst v63  }
0x6f: {  	_ = 	snop  }
0x70: {  	[tilespmem:s30], [sflag:$0x1] =	stream.indirect_vreg.gather [hbm4b:s5+s2], $0x80, v3, vm0, $0xb8;
	[tilespmem:$0x10080] =	vst v63  }
0x71: {  	_ = 	snop  }
0x72: {  	[tilespmem:s31], [sflag:$0x1] =	stream.indirect_vreg.gather [hbm4b:s6+s2], $0x80, v3, vm0, $0xb8;
	[tilespmem:$0x10080] =	vst v63  }
0x73: {  	_ =	swait.ge [sflag:s1], $0x10000  }
0x74: {  	p0 =	sne.s32 s7, $0x1;
	[sflag:s1] =	ssyncset.done $0x0  }
.Ltmp0:
0x75: {  	s10 =	rddreg [dreg:$0x4];
	[sflag:s1] =	ssyncadd.s32 $0xFFFF0000;
	(pc) =	sbr.rel @p0 .LBB2_1-.Ltmp0, $4  }
0x76: {  	[hbm4b:s10+s2] =	stream.linear.scatter [tilespmem:s9], [sflag:$0x2], $0x10000, $0x38;
	[tilespmem:$0x10080] =	vst v63  }
0x77: {  	_ =	swait.ge [sflag:s8], $0x10000  }
0x78: {  	[sflag:s8] =	ssyncset.done $0x0  }
0x79: {  	s7 =	sadd.s32 $0xFFFFFFFF, s7;
	[sflag:s8] =	ssyncadd.s32 $0xFFFF0000  }
0x7a: {  	_ =	sfence.sel $0x180000  }
0x7b: {  	[bflag:$0x0] =	sbarrier.arrive $0xFFFF  }
0x7c: {  	_ =	strace $0x9000004A  }
0x7d: {  	s0 =	stileid.u32;
	[bflag:$0x2] =	sbarrier.arrive $0xFFFF  }
0x7e: {  	p0 =	sne.s32 s0, $0x0;
	s0 =	rddreg [dreg:$0x2]  }
0x7f: {  	s0 =	sadd.s32 @!p0 $0x100000, s0  }
0x80: {  	[sflag:s0] =	ssyncadd.tile.s32 @!p0 $0x1;
	_ =	shalt  }
.Lfunc_end2:
_tile_overlayer_lowered:
.L_overlay_start_2:
0x81: {  	(tag) =	ssettag $0x2  }
0x82: {  	s0 =	rddreg [dreg:$0x0];
	s2 =	stileid.u32  }
0x83: {  	s1 =	rddreg [dreg:$0x1];
	p0 =	sne.s32 s2, $0x0  }
0x84: {  	s3 =	rddreg [dreg:$0x2];
	[bflag:$0x3] =	sbarrier.arrive $0xFFFF;
	s2 =	simm.s32 @!p0 $0x1C02  }
0x85: {  	[timem:s3], [sflag:s2] =	dma.local @!p0 [hbm:s0], s1  }
0x86: {  	s0 =	simm.s32 @!p0 $0x2  }
0x87: {  	_ =	swait.ge @!p0 [sflag:s0], s1  }
0x88: {  	s1 =	ssub.s32 @!p0 $0x0, s1;
	[sflag:s0] =	ssyncset.done @!p0 $0x0  }
0x89: {  	[sflag:s0] =	ssyncadd.s32 @!p0 s1  }
0x8a: {  	[bflag:$0x3] =	sbarrier.arrive $0xFFFF  }
0x8b: {  	_ =	shalt  }

</sc_bundles>
